<compile_context>
chip_gen: v7x
topology: tpu7x:2x2x1
jax: 0.10.2.dev20260603
libtpu: 0.0.44.dev20260713+nightly
codegen_flags: <defaults>
</compile_context>

<pallas_src>
import math

import jax
import jax.numpy as jnp
from jax import lax
from jax.experimental import pallas as pl
from jax.experimental.pallas import tpu as pltpu
from jax.experimental.pallas import tpu_sc as plsc

_N = 2_000_000
_NSAMP = 100_000
_SMOOTH = 0.9
_LN_SMOOTH = math.log(_SMOOTH)

_NC = 2
_NS = 16

_BINS_PER_TILE = 6256
_BINS_PAD = _NS * _BINS_PER_TILE

_P1_CHUNK = 5000
_P1_NCHUNKS = _N // _P1_CHUNK

_P3_PER_TILE = 62560
_P3_CHUNK = 6256
_P3_ITERS = _P3_PER_TILE // _P3_CHUNK


def _acc_body(values_hbm, indices_hbm, acc_hbm,
              sums_s, cnts_s,
              vals_a, vals_b, idx_a, idx_b, ones_v, zero_v, stg_v,
              sva, sia, svb, sib, ssva, ssca, ssvb, sscb):
  cid = lax.axis_index("c")
  sid = lax.axis_index("s")
  wid = sid * _NC + cid

  def _load(j, vbuf, ibuf, vsem, isem):
    base = pl.multiple_of((wid + 32 * j) * _P1_CHUNK, 8)
    pltpu.async_copy(values_hbm.at[pl.ds(base, _P1_CHUNK)], vbuf, vsem)
    pltpu.async_copy(indices_hbm.at[pl.ds(base, _P1_CHUNK)], ibuf, isem)

  def _wait_load(vbuf, ibuf, vsem, isem):
    pltpu.make_async_copy(values_hbm.at[pl.ds(0, _P1_CHUNK)], vbuf,
                          vsem).wait()
    pltpu.make_async_copy(indices_hbm.at[pl.ds(0, _P1_CHUNK)], ibuf,
                          isem).wait()

  def _scatter_start(vbuf, ibuf, vsem, csem):
    pltpu.async_copy(vbuf, sums_s.at[ibuf], vsem, add=True)
    pltpu.async_copy(ones_v.at[pl.ds(0, _P1_CHUNK)],
                     cnts_s.at[ibuf], csem, add=True)

  def _scatter_wait(vbuf, ibuf, vsem, csem):
    pltpu.make_async_copy(vbuf, sums_s.at[ibuf], vsem).wait()
    pltpu.make_async_copy(ones_v.at[pl.ds(0, _P1_CHUNK)],
                          cnts_s.at[ibuf], csem).wait()

  _load(0, vals_a, idx_a, sva, sia)
  _load(1, vals_b, idx_b, svb, sib)

  def _fill(i, _):
    zero_v[pl.ds(i * 16, 16)] = jnp.zeros((16,), jnp.float32)
    return 0
  lax.fori_loop(0, _BINS_PER_TILE // 16, _fill, 0)

  def _fill1(i, _):
    ones_v[pl.ds(i * 16, 16)] = jnp.ones((16,), jnp.float32)
    return 0
  lax.fori_loop(0, ones_v.shape[0] // 16, _fill1, 0)

  b0 = pl.multiple_of(sid * _BINS_PER_TILE, 8)
  pltpu.sync_copy(zero_v, sums_s.at[pl.ds(b0, _BINS_PER_TILE)])
  pltpu.sync_copy(zero_v, cnts_s.at[pl.ds(b0, _BINS_PER_TILE)])
  plsc.subcore_barrier()

  def _pipe(g, _):
    _wait_load(vals_a, idx_a, sva, sia)
    _scatter_start(vals_a, idx_a, ssva, ssca)
    _wait_load(vals_b, idx_b, svb, sib)
    _scatter_start(vals_b, idx_b, ssvb, sscb)
    _scatter_wait(vals_a, idx_a, ssva, ssca)

    @pl.when(g < 5)
    def _pfa():
      _load(2 * g + 2, vals_a, idx_a, sva, sia)

    _scatter_wait(vals_b, idx_b, ssvb, sscb)

    @pl.when(g < 5)
    def _pfb():
      _load(2 * g + 3, vals_b, idx_b, svb, sib)

    return 0
  lax.fori_loop(0, 6, _pipe, 0)

  @pl.when(wid < 16)
  def _extra():
    _load(12, vals_a, idx_a, sva, sia)
    _wait_load(vals_a, idx_a, sva, sia)
    _scatter_start(vals_a, idx_a, ssva, ssca)
    _scatter_wait(vals_a, idx_a, ssva, ssca)

  plsc.subcore_barrier()

  po = pl.multiple_of(cid * 2 * _BINS_PAD + b0, 8)
  d1 = pltpu.async_copy(sums_s.at[pl.ds(b0, _BINS_PER_TILE)], zero_v, sva)
  d2 = pltpu.async_copy(cnts_s.at[pl.ds(b0, _BINS_PER_TILE)], stg_v, svb)
  d1.wait()
  d2.wait()
  d3 = pltpu.async_copy(zero_v, acc_hbm.at[pl.ds(po, _BINS_PER_TILE)],
                        sva)
  d4 = pltpu.async_copy(stg_v,
                        acc_hbm.at[pl.ds(po + _BINS_PAD, _BINS_PER_TILE)],
                        svb)
  d3.wait()
  d4.wait()


def _ema_gather_body(acc_hbm, indices_hbm, memory_hbm, out_hbm,
                     newm_s, s0_v, s1_v, c0_v, c1_v, mem_v, newm_v,
                     idx_a, idx_b, out_a, out_b,
                     sia, sib, soa, sob, sld):
  cid = lax.axis_index("c")
  sid = lax.axis_index("s")
  wid = sid * _NC + cid

  b0 = pl.multiple_of(sid * _BINS_PER_TILE, 8)
  p3_base = jnp.minimum(wid * _P3_PER_TILE, _N - _P3_PER_TILE)

  def _cbase(j):
    return pl.multiple_of(p3_base + j * _P3_CHUNK, 8)

  def _load_idx(j, ibuf, isem):
    pltpu.async_copy(indices_hbm.at[pl.ds(_cbase(j), _P3_CHUNK)], ibuf,
                     isem)

  _load_idx(0, idx_a, sia)
  _load_idx(1, idx_b, sib)

  d1 = pltpu.async_copy(acc_hbm.at[pl.ds(b0, _BINS_PER_TILE)], s0_v, sld)
  d2 = pltpu.async_copy(
      acc_hbm.at[pl.ds(2 * _BINS_PAD + b0, _BINS_PER_TILE)], s1_v, sld)
  d3 = pltpu.async_copy(
      acc_hbm.at[pl.ds(_BINS_PAD + b0, _BINS_PER_TILE)], c0_v, sld)
  d4 = pltpu.async_copy(
      acc_hbm.at[pl.ds(3 * _BINS_PAD + b0, _BINS_PER_TILE)], c1_v, sld)
  d5 = pltpu.async_copy(memory_hbm.at[pl.ds(b0, _BINS_PER_TILE)], mem_v,
                        sld)
  d1.wait()
  d2.wait()
  d3.wait()
  d4.wait()
  d5.wait()

  def _p2(k, _):
    o = k * 16
    s = s0_v[pl.ds(o, 16)] + s1_v[pl.ds(o, 16)]
    c = c0_v[pl.ds(o, 16)] + c1_v[pl.ds(o, 16)]
    m = mem_v[pl.ds(o, 16)]
    mean = s / jnp.maximum(c, 1.0)
    alpha = jnp.exp(c * _LN_SMOOTH)
    nm = jnp.where(c > 0.0, alpha * m + (1.0 - alpha) * mean, m)
    newm_v[pl.ds(o, 16)] = nm
    return 0
  lax.fori_loop(0, _BINS_PER_TILE // 16, _p2, 0)

  pltpu.sync_copy(newm_v, newm_s.at[pl.ds(b0, _BINS_PER_TILE)])
  plsc.subcore_barrier()

  def _wait_idx(ibuf, isem):
    pltpu.make_async_copy(indices_hbm.at[pl.ds(0, _P3_CHUNK)], ibuf,
                          isem).wait()

  def _drain_out(obuf, osem):
    pltpu.make_async_copy(obuf, out_hbm.at[pl.ds(0, _P3_CHUNK)],
                          osem).wait()

  def _pipe(g, _):
    _wait_idx(idx_a, sia)

    @pl.when(g > 0)
    def _da():
      _drain_out(out_a, soa)

    pltpu.sync_copy(newm_s.at[idx_a], out_a)
    pltpu.async_copy(out_a, out_hbm.at[pl.ds(_cbase(2 * g), _P3_CHUNK)],
                     soa)
    @pl.when(g < _P3_ITERS // 2 - 1)
    def _pf():
      _load_idx(2 * g + 2, idx_a, sia)

    _wait_idx(idx_b, sib)

    @pl.when(g > 0)
    def _db():
      _drain_out(out_b, sob)

    pltpu.sync_copy(newm_s.at[idx_b], out_b)
    pltpu.async_copy(out_b,
                     out_hbm.at[pl.ds(_cbase(2 * g + 1), _P3_CHUNK)], sob)

    @pl.when(g < _P3_ITERS // 2 - 1)
    def _pfb():
      _load_idx(2 * g + 3, idx_b, sib)

    return 0
  lax.fori_loop(0, _P3_ITERS // 2, _pipe, 0)

  _drain_out(out_a, soa)
  _drain_out(out_b, sob)


@jax.jit
def _smoother(values, indices, memory_padded):
  mesh = plsc.VectorSubcoreMesh(core_axis_name="c", subcore_axis_name="s")
  acc = pl.kernel(
      _acc_body,
      out_type=jax.ShapeDtypeStruct((_NC * 2 * _BINS_PAD,), jnp.float32),
      mesh=mesh,
      scratch_types=[
          pltpu.VMEM_SHARED((_BINS_PAD,), jnp.float32),
          pltpu.VMEM_SHARED((_BINS_PAD,), jnp.float32),
          pltpu.VMEM((_P1_CHUNK,), jnp.float32),
          pltpu.VMEM((_P1_CHUNK,), jnp.float32),
          pltpu.VMEM((_P1_CHUNK,), jnp.int32),
          pltpu.VMEM((_P1_CHUNK,), jnp.int32),
          pltpu.VMEM((5008,), jnp.float32),
          pltpu.VMEM((_BINS_PER_TILE,), jnp.float32),
          pltpu.VMEM((_BINS_PER_TILE,), jnp.float32),
          pltpu.SemaphoreType.DMA,
          pltpu.SemaphoreType.DMA,
          pltpu.SemaphoreType.DMA,
          pltpu.SemaphoreType.DMA,
          pltpu.SemaphoreType.DMA,
          pltpu.SemaphoreType.DMA,
          pltpu.SemaphoreType.DMA,
          pltpu.SemaphoreType.DMA,
      ],
  )(values, indices)

  return pl.kernel(
      _ema_gather_body,
      out_type=jax.ShapeDtypeStruct((_N,), jnp.float32),
      mesh=mesh,
      scratch_types=[
          pltpu.VMEM_SHARED((_BINS_PAD,), jnp.float32),
          pltpu.VMEM((_BINS_PER_TILE,), jnp.float32),
          pltpu.VMEM((_BINS_PER_TILE,), jnp.float32),
          pltpu.VMEM((_BINS_PER_TILE,), jnp.float32),
          pltpu.VMEM((_BINS_PER_TILE,), jnp.float32),
          pltpu.VMEM((_BINS_PER_TILE,), jnp.float32),
          pltpu.VMEM((_BINS_PER_TILE,), jnp.float32),
          pltpu.VMEM((_P3_CHUNK,), jnp.int32),
          pltpu.VMEM((_P3_CHUNK,), jnp.int32),
          pltpu.VMEM((_P3_CHUNK,), jnp.float32),
          pltpu.VMEM((_P3_CHUNK,), jnp.float32),
          pltpu.SemaphoreType.DMA,
          pltpu.SemaphoreType.DMA,
          pltpu.SemaphoreType.DMA,
          pltpu.SemaphoreType.DMA,
          pltpu.SemaphoreType.DMA,
      ],
  )(acc, indices, memory_padded)


def kernel(values, indices, memory):
  memory_padded = jnp.concatenate(
      [memory, jnp.zeros((_BINS_PAD - _NSAMP,), jnp.float32)])
  return _smoother(values, indices, memory_padded)

# --- scband reference (transcript-rebuilt; emitter-appended) ---
"""Pipeline reference for scband-smoother-25503515804376 (READ-ONLY COPY).

The authoritative reference and input builder live on the scoring server;
editing this copy changes nothing except your own understanding.
"""

import jax, jax.numpy as jnp
import numpy as np

SMOOTHING = 0.9
NSAMPLES = 100000
N = 2000000

def setup_inputs(seed: int = 0) -> dict:
    key = jax.random.key(seed)
    k1, k2 = jax.random.split(key)
    values = jax.random.normal(k1, (N,), dtype=jnp.float32)
    indices = jax.random.randint(k2, (N,), 0, NSAMPLES, dtype=jnp.int32)
    # 'memory' buffer initialized per init=0 in __init__
    memory = jnp.zeros((NSAMPLES,), dtype=jnp.float32)
    return {"values": values, "indices": indices, "memory": memory}

def reference(values, indices, memory):
    # torch.bincount(indices, weights=values, minlength=nsamples)
    binned_values = jax.ops.segment_sum(values, indices, num_segments=NSAMPLES)
    # torch.bincount(indices, minlength=nsamples).float()
    bin_size = jax.ops.segment_sum(jnp.ones_like(values), indices, num_segments=NSAMPLES)
    nnz = bin_size > 0
    safe_size = jnp.maximum(bin_size, 1.0)
    means = binned_values / safe_size
    alpha = SMOOTHING ** bin_size
    # functional version of masked in-place buffer update:
    # memory[nnz] = alpha*memory[nnz] + (1-alpha)*means
    new_memory = jnp.where(nnz, alpha * memory + (1.0 - alpha) * means, memory)
    return new_memory[indices]

if __name__ == "__main__":
    import jax
    _d = setup_inputs()
    print(jax.jit(kernel)(*tuple(_d.values())))

</pallas_src>

<mosaic_0001>
#map = affine_map<(d0, d1) -> (0)>
module attributes {stable_mosaic.version = 14 : i64} {
  func.func @_acc_body(%arg0: i32, %arg1: i32, %arg2: memref<2000000xf32, #tpu.memory_space<hbm>>, %arg3: memref<2000000xi32, #tpu.memory_space<hbm>>, %arg4: memref<400384xf32, #tpu.memory_space<hbm>>, %arg5: memref<100096xf32, #tpu.memory_space<vmem_shared>>, %arg6: memref<100096xf32, #tpu.memory_space<vmem_shared>>, %arg7: memref<5000xf32, #tpu.memory_space<vmem>>, %arg8: memref<5000xf32, #tpu.memory_space<vmem>>, %arg9: memref<5000xi32, #tpu.memory_space<vmem>>, %arg10: memref<5000xi32, #tpu.memory_space<vmem>>, %arg11: memref<5008xf32, #tpu.memory_space<vmem>>, %arg12: memref<6256xf32, #tpu.memory_space<vmem>>, %arg13: memref<6256xf32, #tpu.memory_space<vmem>>, %arg14: memref<!tpu.dma_semaphore, #tpu.memory_space<semaphore_mem>>, %arg15: memref<!tpu.dma_semaphore, #tpu.memory_space<semaphore_mem>>, %arg16: memref<!tpu.dma_semaphore, #tpu.memory_space<semaphore_mem>>, %arg17: memref<!tpu.dma_semaphore, #tpu.memory_space<semaphore_mem>>, %arg18: memref<!tpu.dma_semaphore, #tpu.memory_space<semaphore_mem>>, %arg19: memref<!tpu.dma_semaphore, #tpu.memory_space<semaphore_mem>>, %arg20: memref<!tpu.dma_semaphore, #tpu.memory_space<semaphore_mem>>, %arg21: memref<!tpu.dma_semaphore, #tpu.memory_space<semaphore_mem>>) attributes {dimension_semantics = [#tpu.dimension_semantics<core_parallel>, #tpu.dimension_semantics<subcore_parallel>], iteration_bounds = array<i64: 2, 16>, scalar_prefetch = 0 : i64, scratch_operands = 17 : i64, tpu.core_type = #tpu.core_type<sc_vector_subcore>, window_params = [{transform_indices = #map}, {transform_indices = #map}, {transform_indices = #map}]} {
    %mul3A = arith.constant 2 : i32
    %mul3A_0 = arith.muli %arg1, %mul3A : i32
    %add3A = arith.addi %mul3A_0, %arg0 : i32
    %add3A_1 = arith.constant 0 : i32
    %add3A_2 = arith.addi %add3A, %add3A_1 : i32
    %mul3A_3 = arith.constant 5000 : i32
    %mul3A_4 = arith.muli %add3A_2, %mul3A_3 : i32
    %multiple_of3A = tpu.assume_multiple %mul3A_4, 8 : i32
    %dma_start3A = tpu.memref_slice %arg2[%multiple_of3A] : memref<2000000xf32, #tpu.memory_space<hbm>> -> memref<5000xf32, #tpu.memory_space<hbm>>
    %dma_start3A_5 = tpu.memref_slice %arg2[%multiple_of3A] : memref<2000000xf32, #tpu.memory_space<hbm>> -> memref<5000xf32, #tpu.memory_space<hbm>>
    tpu.enqueue_dma source(%dma_start3A_5 : memref<5000xf32, #tpu.memory_space<hbm>>) target(%arg7 : memref<5000xf32, #tpu.memory_space<vmem>>) target_semaphore(%arg14 : memref<!tpu.dma_semaphore, #tpu.memory_space<semaphore_mem>>)
    %dma_start3A_6 = tpu.memref_slice %arg3[%multiple_of3A] : memref<2000000xi32, #tpu.memory_space<hbm>> -> memref<5000xi32, #tpu.memory_space<hbm>>
    %dma_start3A_7 = tpu.memref_slice %arg3[%multiple_of3A] : memref<2000000xi32, #tpu.memory_space<hbm>> -> memref<5000xi32, #tpu.memory_space<hbm>>
    tpu.enqueue_dma source(%dma_start3A_7 : memref<5000xi32, #tpu.memory_space<hbm>>) target(%arg9 : memref<5000xi32, #tpu.memory_space<vmem>>) target_semaphore(%arg15 : memref<!tpu.dma_semaphore, #tpu.memory_space<semaphore_mem>>)
    %add3A_8 = arith.constant 32 : i32
    %add3A_9 = arith.addi %add3A, %add3A_8 : i32
    %mul3A_10 = arith.constant 5000 : i32
    %mul3A_11 = arith.muli %add3A_9, %mul3A_10 : i32
    %multiple_of3A_12 = tpu.assume_multiple %mul3A_11, 8 : i32
    %dma_start3A_13 = tpu.memref_slice %arg2[%multiple_of3A_12] : memref<2000000xf32, #tpu.memory_space<hbm>> -> memref<5000xf32, #tpu.memory_space<hbm>>
    %dma_start3A_14 = tpu.memref_slice %arg2[%multiple_of3A_12] : memref<2000000xf32, #tpu.memory_space<hbm>> -> memref<5000xf32, #tpu.memory_space<hbm>>
    tpu.enqueue_dma source(%dma_start3A_14 : memref<5000xf32, #tpu.memory_space<hbm>>) target(%arg8 : memref<5000xf32, #tpu.memory_space<vmem>>) target_semaphore(%arg16 : memref<!tpu.dma_semaphore, #tpu.memory_space<semaphore_mem>>)
    %dma_start3A_15 = tpu.memref_slice %arg3[%multiple_of3A_12] : memref<2000000xi32, #tpu.memory_space<hbm>> -> memref<5000xi32, #tpu.memory_space<hbm>>
    %dma_start3A_16 = tpu.memref_slice %arg3[%multiple_of3A_12] : memref<2000000xi32, #tpu.memory_space<hbm>> -> memref<5000xi32, #tpu.memory_space<hbm>>
    tpu.enqueue_dma source(%dma_start3A_16 : memref<5000xi32, #tpu.memory_space<hbm>>) target(%arg10 : memref<5000xi32, #tpu.memory_space<vmem>>) target_semaphore(%arg17 : memref<!tpu.dma_semaphore, #tpu.memory_space<semaphore_mem>>)
    %scan3A = arith.constant 0 : i32
    %scan3A_17 = arith.constant 0 : i32
    %scan3A_18 = arith.constant 391 : i32
    %scan3A_19 = arith.addi %scan3A_17, %scan3A_18 : i32
    %scan3A_20 = arith.constant 1 : i32
    %scan3A_21 = scf.for %scan3A_66 = %scan3A_17 to %scan3A_19 step %scan3A_20 iter_args(%scan3A_67 = %scan3A) -> (i32)  : i32 {
      %broadcast_in_dim3A = arith.constant 0.000000e+00 : f32
      %broadcast_in_dim3A_68 = vector.broadcast %broadcast_in_dim3A : f32 to vector<16xf32>
      %mul3A_69 = arith.constant 16 : i32
      %mul3A_70 = arith.muli %scan3A_66, %mul3A_69 : i32
      %swap3A = arith.index_cast %mul3A_70 : i32 to index
      %swap3A_71 = tpu.vector_load %arg12[%swap3A] {strides = array<i32>} : memref<6256xf32, #tpu.memory_space<vmem>>, vector<16xf32>,
      %swap3A_72 = vector.shape_cast %swap3A_71 : vector<16xf32> to vector<16xf32>
      %swap3A_73 = vector.shape_cast %broadcast_in_dim3A_68 : vector<16xf32> to vector<16xf32>
      tpu.vector_store %arg12[%swap3A], %swap3A_73 {strides = array<i32>} : memref<6256xf32, #tpu.memory_space<vmem>>, vector<16xf32>,
      %scan3A_74 = arith.constant 0 : i32
      scf.yield %scan3A_74 : i32
    }
    %scan3A_22 = arith.constant 391 : i32
    %scan3A_23 = arith.constant 0 : i32
    %scan3A_24 = arith.constant 0 : i32
    %scan3A_25 = arith.constant 313 : i32
    %scan3A_26 = arith.addi %scan3A_24, %scan3A_25 : i32
    %scan3A_27 = arith.constant 1 : i32
    %scan3A_28 = scf.for %scan3A_66 = %scan3A_24 to %scan3A_26 step %scan3A_27 iter_args(%scan3A_67 = %scan3A_23) -> (i32)  : i32 {
      %broadcast_in_dim3A = arith.constant 1.000000e+00 : f32
      %broadcast_in_dim3A_68 = vector.broadcast %broadcast_in_dim3A : f32 to vector<16xf32>
      %mul3A_69 = arith.constant 16 : i32
      %mul3A_70 = arith.muli %scan3A_66, %mul3A_69 : i32
      %swap3A = arith.index_cast %mul3A_70 : i32 to index
      %swap3A_71 = tpu.vector_load %arg11[%swap3A] {strides = array<i32>} : memref<5008xf32, #tpu.memory_space<vmem>>, vector<16xf32>,
      %swap3A_72 = vector.shape_cast %swap3A_71 : vector<16xf32> to vector<16xf32>
      %swap3A_73 = vector.shape_cast %broadcast_in_dim3A_68 : vector<16xf32> to vector<16xf32>
      tpu.vector_store %arg11[%swap3A], %swap3A_73 {strides = array<i32>} : memref<5008xf32, #tpu.memory_space<vmem>>, vector<16xf32>,
      %scan3A_74 = arith.constant 0 : i32
      scf.yield %scan3A_74 : i32
    }
    %scan3A_29 = arith.constant 313 : i32
    %mul3A_30 = arith.constant 6256 : i32
    %mul3A_31 = arith.muli %arg1, %mul3A_30 : i32
    %multiple_of3A_32 = tpu.assume_multiple %mul3A_31, 8 : i32
    "tpu.region"() ({
      %run_scoped3A = tpu.sem_alloc : memref<!tpu.dma_semaphore, #tpu.memory_space<semaphore_mem>>
      %dma_start3A_66 = tpu.memref_slice %arg5[%multiple_of3A_32] : memref<100096xf32, #tpu.memory_space<vmem_shared>> -> memref<6256xf32, #tpu.memory_space<vmem_shared>>
      %dma_start3A_67 = tpu.memref_slice %arg5[%multiple_of3A_32] : memref<100096xf32, #tpu.memory_space<vmem_shared>> -> memref<6256xf32, #tpu.memory_space<vmem_shared>>
      tpu.enqueue_dma source(%arg12 : memref<6256xf32, #tpu.memory_space<vmem>>) target(%dma_start3A_67 : memref<6256xf32, #tpu.memory_space<vmem_shared>>) target_semaphore(%run_scoped3A : memref<!tpu.dma_semaphore, #tpu.memory_space<semaphore_mem>>)
      %dma_wait3A_68 = tpu.memref_slice %arg5[%multiple_of3A_32] : memref<100096xf32, #tpu.memory_space<vmem_shared>> -> memref<6256xf32, #tpu.memory_space<vmem_shared>>
      %dma_wait3A_69 = tpu.memref_slice %arg5[%multiple_of3A_32] : memref<100096xf32, #tpu.memory_space<vmem_shared>> -> memref<6256xf32, #tpu.memory_space<vmem_shared>>
      tpu.wait_dma2 semaphore(%run_scoped3A : memref<!tpu.dma_semaphore, #tpu.memory_space<semaphore_mem>>) src(%arg12 : memref<6256xf32, #tpu.memory_space<vmem>>) dst(%dma_wait3A_69 : memref<6256xf32, #tpu.memory_space<vmem_shared>>)
      tpu.yield
    }) : () -> ()
    "tpu.region"() ({
      %run_scoped3A = tpu.sem_alloc : memref<!tpu.dma_semaphore, #tpu.memory_space<semaphore_mem>>
      %dma_start3A_66 = tpu.memref_slice %arg6[%multiple_of3A_32] : memref<100096xf32, #tpu.memory_space<vmem_shared>> -> memref<6256xf32, #tpu.memory_space<vmem_shared>>
      %dma_start3A_67 = tpu.memref_slice %arg6[%multiple_of3A_32] : memref<100096xf32, #tpu.memory_space<vmem_shared>> -> memref<6256xf32, #tpu.memory_space<vmem_shared>>
      tpu.enqueue_dma source(%arg12 : memref<6256xf32, #tpu.memory_space<vmem>>) target(%dma_start3A_67 : memref<6256xf32, #tpu.memory_space<vmem_shared>>) target_semaphore(%run_scoped3A : memref<!tpu.dma_semaphore, #tpu.memory_space<semaphore_mem>>)
      %dma_wait3A_68 = tpu.memref_slice %arg6[%multiple_of3A_32] : memref<100096xf32, #tpu.memory_space<vmem_shared>> -> memref<6256xf32, #tpu.memory_space<vmem_shared>>
      %dma_wait3A_69 = tpu.memref_slice %arg6[%multiple_of3A_32] : memref<100096xf32, #tpu.memory_space<vmem_shared>> -> memref<6256xf32, #tpu.memory_space<vmem_shared>>
      tpu.wait_dma2 semaphore(%run_scoped3A : memref<!tpu.dma_semaphore, #tpu.memory_space<semaphore_mem>>) src(%arg12 : memref<6256xf32, #tpu.memory_space<vmem>>) dst(%dma_wait3A_69 : memref<6256xf32, #tpu.memory_space<vmem_shared>>)
      tpu.yield
    }) : () -> ()
    %barrier3A = arith.constant 0 : index
    tpu.barrier barrier_id(%barrier3A)
    %scan3A_33 = arith.constant 0 : i32
    %scan3A_34 = arith.constant 0 : i32
    %scan3A_35 = arith.constant 6 : i32
    %scan3A_36 = arith.addi %scan3A_34, %scan3A_35 : i32
    %scan3A_37 = arith.constant 1 : i32
    %scan3A_38 = scf.for %scan3A_66 = %scan3A_34 to %scan3A_36 step %scan3A_37 iter_args(%scan3A_67 = %scan3A_33) -> (i32)  : i32 {
      %dma_wait3A_68 = arith.constant 0 : i32
      %dma_wait3A_69 = tpu.memref_slice %arg2[%dma_wait3A_68] : memref<2000000xf32, #tpu.memory_space<hbm>> -> memref<5000xf32, #tpu.memory_space<hbm>>
      %dma_wait3A_70 = arith.constant 0 : i32
      %dma_wait3A_71 = tpu.memref_slice %arg2[%dma_wait3A_70] : memref<2000000xf32, #tpu.memory_space<hbm>> -> memref<5000xf32, #tpu.memory_space<hbm>>
      tpu.wait_dma2 semaphore(%arg14 : memref<!tpu.dma_semaphore, #tpu.memory_space<semaphore_mem>>) src(%dma_wait3A_71 : memref<5000xf32, #tpu.memory_space<hbm>>) dst(%arg7 : memref<5000xf32, #tpu.memory_space<vmem>>)
      %dma_wait3A_72 = arith.constant 0 : i32
      %dma_wait3A_73 = tpu.memref_slice %arg3[%dma_wait3A_72] : memref<2000000xi32, #tpu.memory_space<hbm>> -> memref<5000xi32, #tpu.memory_space<hbm>>
      %dma_wait3A_74 = arith.constant 0 : i32
      %dma_wait3A_75 = tpu.memref_slice %arg3[%dma_wait3A_74] : memref<2000000xi32, #tpu.memory_space<hbm>> -> memref<5000xi32, #tpu.memory_space<hbm>>
      tpu.wait_dma2 semaphore(%arg15 : memref<!tpu.dma_semaphore, #tpu.memory_space<semaphore_mem>>) src(%dma_wait3A_75 : memref<5000xi32, #tpu.memory_space<hbm>>) dst(%arg9 : memref<5000xi32, #tpu.memory_space<vmem>>)
      %dma_start3A_76 = arith.constant 0 : i32
      %dma_start3A_77 = tpu.memref_slice %arg5[%dma_start3A_76] : memref<100096xf32, #tpu.memory_space<vmem_shared>> -> memref<100096xf32, #tpu.memory_space<vmem_shared>>
      tpu.enqueue_indirect_dma source(%arg7 : memref<5000xf32, #tpu.memory_space<vmem>>) target(%dma_start3A_77 : memref<100096xf32, #tpu.memory_space<vmem_shared>>) offsets(%arg9 : memref<5000xi32, #tpu.memory_space<vmem>>) semaphore(%arg18 : memref<!tpu.dma_semaphore, #tpu.memory_space<semaphore_mem>>) {add = true}
      %dma_start3A_78 = arith.constant 0 : i32
      %dma_start3A_79 = tpu.memref_slice %arg11[%dma_start3A_78] : memref<5008xf32, #tpu.memory_space<vmem>> -> memref<5000xf32, #tpu.memory_space<vmem>>
      %dma_start3A_80 = arith.constant 0 : i32
      %dma_start3A_81 = tpu.memref_slice %arg6[%dma_start3A_80] : memref<100096xf32, #tpu.memory_space<vmem_shared>> -> memref<100096xf32, #tpu.memory_space<vmem_shared>>
      tpu.enqueue_indirect_dma source(%dma_start3A_79 : memref<5000xf32, #tpu.memory_space<vmem>>) target(%dma_start3A_81 : memref<100096xf32, #tpu.memory_space<vmem_shared>>) offsets(%arg9 : memref<5000xi32, #tpu.memory_space<vmem>>) semaphore(%arg19 : memref<!tpu.dma_semaphore, #tpu.memory_space<semaphore_mem>>) {add = true}
      %dma_wait3A_82 = arith.constant 0 : i32
      %dma_wait3A_83 = tpu.memref_slice %arg2[%dma_wait3A_82] : memref<2000000xf32, #tpu.memory_space<hbm>> -> memref<5000xf32, #tpu.memory_space<hbm>>
      %dma_wait3A_84 = arith.constant 0 : i32
      %dma_wait3A_85 = tpu.memref_slice %arg2[%dma_wait3A_84] : memref<2000000xf32, #tpu.memory_space<hbm>> -> memref<5000xf32, #tpu.memory_space<hbm>>
      tpu.wait_dma2 semaphore(%arg16 : memref<!tpu.dma_semaphore, #tpu.memory_space<semaphore_mem>>) src(%dma_wait3A_85 : memref<5000xf32, #tpu.memory_space<hbm>>) dst(%arg8 : memref<5000xf32, #tpu.memory_space<vmem>>)
      %dma_wait3A_86 = arith.constant 0 : i32
      %dma_wait3A_87 = tpu.memref_slice %arg3[%dma_wait3A_86] : memref<2000000xi32, #tpu.memory_space<hbm>> -> memref<5000xi32, #tpu.memory_space<hbm>>
      %dma_wait3A_88 = arith.constant 0 : i32
      %dma_wait3A_89 = tpu.memref_slice %arg3[%dma_wait3A_88] : memref<2000000xi32, #tpu.memory_space<hbm>> -> memref<5000xi32, #tpu.memory_space<hbm>>
      tpu.wait_dma2 semaphore(%arg17 : memref<!tpu.dma_semaphore, #tpu.memory_space<semaphore_mem>>) src(%dma_wait3A_89 : memref<5000xi32, #tpu.memory_space<hbm>>) dst(%arg10 : memref<5000xi32, #tpu.memory_space<vmem>>)
      %dma_start3A_90 = arith.constant 0 : i32
      %dma_start3A_91 = tpu.memref_slice %arg5[%dma_start3A_90] : memref<100096xf32, #tpu.memory_space<vmem_shared>> -> memref<100096xf32, #tpu.memory_space<vmem_shared>>
      tpu.enqueue_indirect_dma source(%arg8 : memref<5000xf32, #tpu.memory_space<vmem>>) target(%dma_start3A_91 : memref<100096xf32, #tpu.memory_space<vmem_shared>>) offsets(%arg10 : memref<5000xi32, #tpu.memory_space<vmem>>) semaphore(%arg20 : memref<!tpu.dma_semaphore, #tpu.memory_space<semaphore_mem>>) {add = true}
      %dma_start3A_92 = arith.constant 0 : i32
      %dma_start3A_93 = tpu.memref_slice %arg11[%dma_start3A_92] : memref<5008xf32, #tpu.memory_space<vmem>> -> memref<5000xf32, #tpu.memory_space<vmem>>
      %dma_start3A_94 = arith.constant 0 : i32
      %dma_start3A_95 = tpu.memref_slice %arg6[%dma_start3A_94] : memref<100096xf32, #tpu.memory_space<vmem_shared>> -> memref<100096xf32, #tpu.memory_space<vmem_shared>>
      tpu.enqueue_indirect_dma source(%dma_start3A_93 : memref<5000xf32, #tpu.memory_space<vmem>>) target(%dma_start3A_95 : memref<100096xf32, #tpu.memory_space<vmem_shared>>) offsets(%arg10 : memref<5000xi32, #tpu.memory_space<vmem>>) semaphore(%arg21 : memref<!tpu.dma_semaphore, #tpu.memory_space<semaphore_mem>>) {add = true}
      %dma_wait3A_96 = arith.constant 0 : i32
      %dma_wait3A_97 = tpu.memref_slice %arg5[%dma_wait3A_96] : memref<100096xf32, #tpu.memory_space<vmem_shared>> -> memref<100096xf32, #tpu.memory_space<vmem_shared>>
      tpu.wait_indirect_dma semaphore(%arg18 : memref<!tpu.dma_semaphore, #tpu.memory_space<semaphore_mem>>) src(%arg7 : memref<5000xf32, #tpu.memory_space<vmem>>) dst(%dma_wait3A_97 : memref<100096xf32, #tpu.memory_space<vmem_shared>>)
      %dma_wait3A_98 = arith.constant 0 : i32
      %dma_wait3A_99 = tpu.memref_slice %arg11[%dma_wait3A_98] : memref<5008xf32, #tpu.memory_space<vmem>> -> memref<5000xf32, #tpu.memory_space<vmem>>
      %dma_wait3A_100 = arith.constant 0 : i32
      %dma_wait3A_101 = tpu.memref_slice %arg6[%dma_wait3A_100] : memref<100096xf32, #tpu.memory_space<vmem_shared>> -> memref<100096xf32, #tpu.memory_space<vmem_shared>>
      tpu.wait_indirect_dma semaphore(%arg19 : memref<!tpu.dma_semaphore, #tpu.memory_space<semaphore_mem>>) src(%dma_wait3A_99 : memref<5000xf32, #tpu.memory_space<vmem>>) dst(%dma_wait3A_101 : memref<100096xf32, #tpu.memory_space<vmem_shared>>)
      %lt3A_102 = arith.constant 5 : i32
      %lt3A_103 = arith.cmpi slt, %scan3A_66, %lt3A_102 : i32
      %convert_element_type3A_104 = arith.extui %lt3A_103 : i1 to i32
      %cond3A_105 = arith.constant 0 : i32
      %cond3A_106 = arith.cmpi ne, %convert_element_type3A_104, %cond3A_105 : i32
      scf.if %cond3A_106 {
        %mul3A_119 = arith.constant 2 : i32
        %mul3A_120 = arith.muli %mul3A_119, %scan3A_66 : i32
        %add3A_121 = arith.constant 2 : i32
        %add3A_122 = arith.addi %mul3A_120, %add3A_121 : i32
        %mul3A_123 = arith.constant 32 : i32
        %mul3A_124 = arith.muli %mul3A_123, %add3A_122 : i32
        %add3A_125 = arith.addi %add3A, %mul3A_124 : i32
        %mul3A_126 = arith.constant 5000 : i32
        %mul3A_127 = arith.muli %add3A_125, %mul3A_126 : i32
        %multiple_of3A_128 = tpu.assume_multiple %mul3A_127, 8 : i32
        %dma_start3A_129 = tpu.memref_slice %arg2[%multiple_of3A_128] : memref<2000000xf32, #tpu.memory_space<hbm>> -> memref<5000xf32, #tpu.memory_space<hbm>>
        %dma_start3A_130 = tpu.memref_slice %arg2[%multiple_of3A_128] : memref<2000000xf32, #tpu.memory_space<hbm>> -> memref<5000xf32, #tpu.memory_space<hbm>>
        tpu.enqueue_dma source(%dma_start3A_130 : memref<5000xf32, #tpu.memory_space<hbm>>) target(%arg7 : memref<5000xf32, #tpu.memory_space<vmem>>) target_semaphore(%arg14 : memref<!tpu.dma_semaphore, #tpu.memory_space<semaphore_mem>>)
        %dma_start3A_131 = tpu.memref_slice %arg3[%multiple_of3A_128] : memref<2000000xi32, #tpu.memory_space<hbm>> -> memref<5000xi32, #tpu.memory_space<hbm>>
        %dma_start3A_132 = tpu.memref_slice %arg3[%multiple_of3A_128] : memref<2000000xi32, #tpu.memory_space<hbm>> -> memref<5000xi32, #tpu.memory_space<hbm>>
        tpu.enqueue_dma source(%dma_start3A_132 : memref<5000xi32, #tpu.memory_space<hbm>>) target(%arg9 : memref<5000xi32, #tpu.memory_space<vmem>>) target_semaphore(%arg15 : memref<!tpu.dma_semaphore, #tpu.memory_space<semaphore_mem>>)
      } else {
      }
      %dma_wait3A_107 = arith.constant 0 : i32
      %dma_wait3A_108 = tpu.memref_slice %arg5[%dma_wait3A_107] : memref<100096xf32, #tpu.memory_space<vmem_shared>> -> memref<100096xf32, #tpu.memory_space<vmem_shared>>
      tpu.wait_indirect_dma semaphore(%arg20 : memref<!tpu.dma_semaphore, #tpu.memory_space<semaphore_mem>>) src(%arg8 : memref<5000xf32, #tpu.memory_space<vmem>>) dst(%dma_wait3A_108 : memref<100096xf32, #tpu.memory_space<vmem_shared>>)
      %dma_wait3A_109 = arith.constant 0 : i32
      %dma_wait3A_110 = tpu.memref_slice %arg11[%dma_wait3A_109] : memref<5008xf32, #tpu.memory_space<vmem>> -> memref<5000xf32, #tpu.memory_space<vmem>>
      %dma_wait3A_111 = arith.constant 0 : i32
      %dma_wait3A_112 = tpu.memref_slice %arg6[%dma_wait3A_111] : memref<100096xf32, #tpu.memory_space<vmem_shared>> -> memref<100096xf32, #tpu.memory_space<vmem_shared>>
      tpu.wait_indirect_dma semaphore(%arg21 : memref<!tpu.dma_semaphore, #tpu.memory_space<semaphore_mem>>) src(%dma_wait3A_110 : memref<5000xf32, #tpu.memory_space<vmem>>) dst(%dma_wait3A_112 : memref<100096xf32, #tpu.memory_space<vmem_shared>>)
      %lt3A_113 = arith.constant 5 : i32
      %lt3A_114 = arith.cmpi slt, %scan3A_66, %lt3A_113 : i32
      %convert_element_type3A_115 = arith.extui %lt3A_114 : i1 to i32
      %cond3A_116 = arith.constant 0 : i32
      %cond3A_117 = arith.cmpi ne, %convert_element_type3A_115, %cond3A_116 : i32
      scf.if %cond3A_117 {
        %mul3A_119 = arith.constant 2 : i32
        %mul3A_120 = arith.muli %mul3A_119, %scan3A_66 : i32
        %add3A_121 = arith.constant 3 : i32
        %add3A_122 = arith.addi %mul3A_120, %add3A_121 : i32
        %mul3A_123 = arith.constant 32 : i32
        %mul3A_124 = arith.muli %mul3A_123, %add3A_122 : i32
        %add3A_125 = arith.addi %add3A, %mul3A_124 : i32
        %mul3A_126 = arith.constant 5000 : i32
        %mul3A_127 = arith.muli %add3A_125, %mul3A_126 : i32
        %multiple_of3A_128 = tpu.assume_multiple %mul3A_127, 8 : i32
        %dma_start3A_129 = tpu.memref_slice %arg2[%multiple_of3A_128] : memref<2000000xf32, #tpu.memory_space<hbm>> -> memref<5000xf32, #tpu.memory_space<hbm>>
        %dma_start3A_130 = tpu.memref_slice %arg2[%multiple_of3A_128] : memref<2000000xf32, #tpu.memory_space<hbm>> -> memref<5000xf32, #tpu.memory_space<hbm>>
        tpu.enqueue_dma source(%dma_start3A_130 : memref<5000xf32, #tpu.memory_space<hbm>>) target(%arg8 : memref<5000xf32, #tpu.memory_space<vmem>>) target_semaphore(%arg16 : memref<!tpu.dma_semaphore, #tpu.memory_space<semaphore_mem>>)
        %dma_start3A_131 = tpu.memref_slice %arg3[%multiple_of3A_128] : memref<2000000xi32, #tpu.memory_space<hbm>> -> memref<5000xi32, #tpu.memory_space<hbm>>
        %dma_start3A_132 = tpu.memref_slice %arg3[%multiple_of3A_128] : memref<2000000xi32, #tpu.memory_space<hbm>> -> memref<5000xi32, #tpu.memory_space<hbm>>
        tpu.enqueue_dma source(%dma_start3A_132 : memref<5000xi32, #tpu.memory_space<hbm>>) target(%arg10 : memref<5000xi32, #tpu.memory_space<vmem>>) target_semaphore(%arg17 : memref<!tpu.dma_semaphore, #tpu.memory_space<semaphore_mem>>)
      } else {
      }
      %scan3A_118 = arith.constant 0 : i32
      scf.yield %scan3A_118 : i32
    }
    %scan3A_39 = arith.constant 6 : i32
    %lt3A = arith.constant 16 : i32
    %lt3A_40 = arith.cmpi slt, %add3A, %lt3A : i32
    %convert_element_type3A = arith.extui %lt3A_40 : i1 to i32
    %cond3A = arith.constant 0 : i32
    %cond3A_41 = arith.cmpi ne, %convert_element_type3A, %cond3A : i32
    scf.if %cond3A_41 {
      %add3A_66 = arith.constant 384 : i32
      %add3A_67 = arith.addi %add3A, %add3A_66 : i32
      %mul3A_68 = arith.constant 5000 : i32
      %mul3A_69 = arith.muli %add3A_67, %mul3A_68 : i32
      %multiple_of3A_70 = tpu.assume_multiple %mul3A_69, 8 : i32
      %dma_start3A_71 = tpu.memref_slice %arg2[%multiple_of3A_70] : memref<2000000xf32, #tpu.memory_space<hbm>> -> memref<5000xf32, #tpu.memory_space<hbm>>
      %dma_start3A_72 = tpu.memref_slice %arg2[%multiple_of3A_70] : memref<2000000xf32, #tpu.memory_space<hbm>> -> memref<5000xf32, #tpu.memory_space<hbm>>
      tpu.enqueue_dma source(%dma_start3A_72 : memref<5000xf32, #tpu.memory_space<hbm>>) target(%arg7 : memref<5000xf32, #tpu.memory_space<vmem>>) target_semaphore(%arg14 : memref<!tpu.dma_semaphore, #tpu.memory_space<semaphore_mem>>)
      %dma_start3A_73 = tpu.memref_slice %arg3[%multiple_of3A_70] : memref<2000000xi32, #tpu.memory_space<hbm>> -> memref<5000xi32, #tpu.memory_space<hbm>>
      %dma_start3A_74 = tpu.memref_slice %arg3[%multiple_of3A_70] : memref<2000000xi32, #tpu.memory_space<hbm>> -> memref<5000xi32, #tpu.memory_space<hbm>>
      tpu.enqueue_dma source(%dma_start3A_74 : memref<5000xi32, #tpu.memory_space<hbm>>) target(%arg9 : memref<5000xi32, #tpu.memory_space<vmem>>) target_semaphore(%arg15 : memref<!tpu.dma_semaphore, #tpu.memory_space<semaphore_mem>>)
      %dma_wait3A_75 = arith.constant 0 : i32
      %dma_wait3A_76 = tpu.memref_slice %arg2[%dma_wait3A_75] : memref<2000000xf32, #tpu.memory_space<hbm>> -> memref<5000xf32, #tpu.memory_space<hbm>>
      %dma_wait3A_77 = arith.constant 0 : i32
      %dma_wait3A_78 = tpu.memref_slice %arg2[%dma_wait3A_77] : memref<2000000xf32, #tpu.memory_space<hbm>> -> memref<5000xf32, #tpu.memory_space<hbm>>
      tpu.wait_dma2 semaphore(%arg14 : memref<!tpu.dma_semaphore, #tpu.memory_space<semaphore_mem>>) src(%dma_wait3A_78 : memref<5000xf32, #tpu.memory_space<hbm>>) dst(%arg7 : memref<5000xf32, #tpu.memory_space<vmem>>)
      %dma_wait3A_79 = arith.constant 0 : i32
      %dma_wait3A_80 = tpu.memref_slice %arg3[%dma_wait3A_79] : memref<2000000xi32, #tpu.memory_space<hbm>> -> memref<5000xi32, #tpu.memory_space<hbm>>
      %dma_wait3A_81 = arith.constant 0 : i32
      %dma_wait3A_82 = tpu.memref_slice %arg3[%dma_wait3A_81] : memref<2000000xi32, #tpu.memory_space<hbm>> -> memref<5000xi32, #tpu.memory_space<hbm>>
      tpu.wait_dma2 semaphore(%arg15 : memref<!tpu.dma_semaphore, #tpu.memory_space<semaphore_mem>>) src(%dma_wait3A_82 : memref<5000xi32, #tpu.memory_space<hbm>>) dst(%arg9 : memref<5000xi32, #tpu.memory_space<vmem>>)
      %dma_start3A_83 = arith.constant 0 : i32
      %dma_start3A_84 = tpu.memref_slice %arg5[%dma_start3A_83] : memref<100096xf32, #tpu.memory_space<vmem_shared>> -> memref<100096xf32, #tpu.memory_space<vmem_shared>>
      tpu.enqueue_indirect_dma source(%arg7 : memref<5000xf32, #tpu.memory_space<vmem>>) target(%dma_start3A_84 : memref<100096xf32, #tpu.memory_space<vmem_shared>>) offsets(%arg9 : memref<5000xi32, #tpu.memory_space<vmem>>) semaphore(%arg18 : memref<!tpu.dma_semaphore, #tpu.memory_space<semaphore_mem>>) {add = true}
      %dma_start3A_85 = arith.constant 0 : i32
      %dma_start3A_86 = tpu.memref_slice %arg11[%dma_start3A_85] : memref<5008xf32, #tpu.memory_space<vmem>> -> memref<5000xf32, #tpu.memory_space<vmem>>
      %dma_start3A_87 = arith.constant 0 : i32
      %dma_start3A_88 = tpu.memref_slice %arg6[%dma_start3A_87] : memref<100096xf32, #tpu.memory_space<vmem_shared>> -> memref<100096xf32, #tpu.memory_space<vmem_shared>>
      tpu.enqueue_indirect_dma source(%dma_start3A_86 : memref<5000xf32, #tpu.memory_space<vmem>>) target(%dma_start3A_88 : memref<100096xf32, #tpu.memory_space<vmem_shared>>) offsets(%arg9 : memref<5000xi32, #tpu.memory_space<vmem>>) semaphore(%arg19 : memref<!tpu.dma_semaphore, #tpu.memory_space<semaphore_mem>>) {add = true}
      %dma_wait3A_89 = arith.constant 0 : i32
      %dma_wait3A_90 = tpu.memref_slice %arg5[%dma_wait3A_89] : memref<100096xf32, #tpu.memory_space<vmem_shared>> -> memref<100096xf32, #tpu.memory_space<vmem_shared>>
      tpu.wait_indirect_dma semaphore(%arg18 : memref<!tpu.dma_semaphore, #tpu.memory_space<semaphore_mem>>) src(%arg7 : memref<5000xf32, #tpu.memory_space<vmem>>) dst(%dma_wait3A_90 : memref<100096xf32, #tpu.memory_space<vmem_shared>>)
      %dma_wait3A_91 = arith.constant 0 : i32
      %dma_wait3A_92 = tpu.memref_slice %arg11[%dma_wait3A_91] : memref<5008xf32, #tpu.memory_space<vmem>> -> memref<5000xf32, #tpu.memory_space<vmem>>
      %dma_wait3A_93 = arith.constant 0 : i32
      %dma_wait3A_94 = tpu.memref_slice %arg6[%dma_wait3A_93] : memref<100096xf32, #tpu.memory_space<vmem_shared>> -> memref<100096xf32, #tpu.memory_space<vmem_shared>>
      tpu.wait_indirect_dma semaphore(%arg19 : memref<!tpu.dma_semaphore, #tpu.memory_space<semaphore_mem>>) src(%dma_wait3A_92 : memref<5000xf32, #tpu.memory_space<vmem>>) dst(%dma_wait3A_94 : memref<100096xf32, #tpu.memory_space<vmem_shared>>)
    } else {
    }
    %barrier3A_42 = arith.constant 0 : index
    tpu.barrier barrier_id(%barrier3A_42)
    %mul3A_43 = arith.constant 2 : i32
    %mul3A_44 = arith.muli %arg0, %mul3A_43 : i32
    %mul3A_45 = arith.constant 100096 : i32
    %mul3A_46 = arith.muli %mul3A_44, %mul3A_45 : i32
    %add3A_47 = arith.addi %mul3A_46, %multiple_of3A_32 : i32
    %multiple_of3A_48 = tpu.assume_multiple %add3A_47, 8 : i32
    %dma_start3A_49 = tpu.memref_slice %arg5[%multiple_of3A_32] : memref<100096xf32, #tpu.memory_space<vmem_shared>> -> memref<6256xf32, #tpu.memory_space<vmem_shared>>
    %dma_start3A_50 = tpu.memref_slice %arg5[%multiple_of3A_32] : memref<100096xf32, #tpu.memory_space<vmem_shared>> -> memref<6256xf32, #tpu.memory_space<vmem_shared>>
    tpu.enqueue_dma source(%dma_start3A_50 : memref<6256xf32, #tpu.memory_space<vmem_shared>>) target(%arg12 : memref<6256xf32, #tpu.memory_space<vmem>>) target_semaphore(%arg14 : memref<!tpu.dma_semaphore, #tpu.memory_space<semaphore_mem>>)
    %dma_start3A_51 = tpu.memref_slice %arg6[%multiple_of3A_32] : memref<100096xf32, #tpu.memory_space<vmem_shared>> -> memref<6256xf32, #tpu.memory_space<vmem_shared>>
    %dma_start3A_52 = tpu.memref_slice %arg6[%multiple_of3A_32] : memref<100096xf32, #tpu.memory_space<vmem_shared>> -> memref<6256xf32, #tpu.memory_space<vmem_shared>>
    tpu.enqueue_dma source(%dma_start3A_52 : memref<6256xf32, #tpu.memory_space<vmem_shared>>) target(%arg13 : memref<6256xf32, #tpu.memory_space<vmem>>) target_semaphore(%arg16 : memref<!tpu.dma_semaphore, #tpu.memory_space<semaphore_mem>>)
    %dma_wait3A = tpu.memref_slice %arg5[%multiple_of3A_32] : memref<100096xf32, #tpu.memory_space<vmem_shared>> -> memref<6256xf32, #tpu.memory_space<vmem_shared>>
    %dma_wait3A_53 = tpu.memref_slice %arg5[%multiple_of3A_32] : memref<100096xf32, #tpu.memory_space<vmem_shared>> -> memref<6256xf32, #tpu.memory_space<vmem_shared>>
    tpu.wait_dma2 semaphore(%arg14 : memref<!tpu.dma_semaphore, #tpu.memory_space<semaphore_mem>>) src(%dma_wait3A_53 : memref<6256xf32, #tpu.memory_space<vmem_shared>>) dst(%arg12 : memref<6256xf32, #tpu.memory_space<vmem>>)
    %dma_wait3A_54 = tpu.memref_slice %arg6[%multiple_of3A_32] : memref<100096xf32, #tpu.memory_space<vmem_shared>> -> memref<6256xf32, #tpu.memory_space<vmem_shared>>
    %dma_wait3A_55 = tpu.memref_slice %arg6[%multiple_of3A_32] : memref<100096xf32, #tpu.memory_space<vmem_shared>> -> memref<6256xf32, #tpu.memory_space<vmem_shared>>
    tpu.wait_dma2 semaphore(%arg16 : memref<!tpu.dma_semaphore, #tpu.memory_space<semaphore_mem>>) src(%dma_wait3A_55 : memref<6256xf32, #tpu.memory_space<vmem_shared>>) dst(%arg13 : memref<6256xf32, #tpu.memory_space<vmem>>)
    %dma_start3A_56 = tpu.memref_slice %arg4[%multiple_of3A_48] : memref<400384xf32, #tpu.memory_space<hbm>> -> memref<6256xf32, #tpu.memory_space<hbm>>
    %dma_start3A_57 = tpu.memref_slice %arg4[%multiple_of3A_48] : memref<400384xf32, #tpu.memory_space<hbm>> -> memref<6256xf32, #tpu.memory_space<hbm>>
    tpu.enqueue_dma source(%arg12 : memref<6256xf32, #tpu.memory_space<vmem>>) target(%dma_start3A_57 : memref<6256xf32, #tpu.memory_space<hbm>>) target_semaphore(%arg14 : memref<!tpu.dma_semaphore, #tpu.memory_space<semaphore_mem>>)
    %add3A_58 = arith.constant 100096 : i32
    %add3A_59 = arith.addi %multiple_of3A_48, %add3A_58 : i32
    %dma_start3A_60 = tpu.memref_slice %arg4[%add3A_59] : memref<400384xf32, #tpu.memory_space<hbm>> -> memref<6256xf32, #tpu.memory_space<hbm>>
    %dma_start3A_61 = tpu.memref_slice %arg4[%add3A_59] : memref<400384xf32, #tpu.memory_space<hbm>> -> memref<6256xf32, #tpu.memory_space<hbm>>
    tpu.enqueue_dma source(%arg13 : memref<6256xf32, #tpu.memory_space<vmem>>) target(%dma_start3A_61 : memref<6256xf32, #tpu.memory_space<hbm>>) target_semaphore(%arg16 : memref<!tpu.dma_semaphore, #tpu.memory_space<semaphore_mem>>)
    %dma_wait3A_62 = tpu.memref_slice %arg4[%multiple_of3A_48] : memref<400384xf32, #tpu.memory_space<hbm>> -> memref<6256xf32, #tpu.memory_space<hbm>>
    %dma_wait3A_63 = tpu.memref_slice %arg4[%multiple_of3A_48] : memref<400384xf32, #tpu.memory_space<hbm>> -> memref<6256xf32, #tpu.memory_space<hbm>>
    tpu.wait_dma2 semaphore(%arg14 : memref<!tpu.dma_semaphore, #tpu.memory_space<semaphore_mem>>) src(%arg12 : memref<6256xf32, #tpu.memory_space<vmem>>) dst(%dma_wait3A_63 : memref<6256xf32, #tpu.memory_space<hbm>>)
    %dma_wait3A_64 = tpu.memref_slice %arg4[%add3A_59] : memref<400384xf32, #tpu.memory_space<hbm>> -> memref<6256xf32, #tpu.memory_space<hbm>>
    %dma_wait3A_65 = tpu.memref_slice %arg4[%add3A_59] : memref<400384xf32, #tpu.memory_space<hbm>> -> memref<6256xf32, #tpu.memory_space<hbm>>
    tpu.wait_dma2 semaphore(%arg16 : memref<!tpu.dma_semaphore, #tpu.memory_space<semaphore_mem>>) src(%arg13 : memref<6256xf32, #tpu.memory_space<vmem>>) dst(%dma_wait3A_65 : memref<6256xf32, #tpu.memory_space<hbm>>)
    return
  }
}

#map = affine_map<(d0, d1) -> (0)>
module attributes {stable_mosaic.version = 14 : i64} {
  func.func @_ema_gather_body(%arg0: i32, %arg1: i32, %arg2: memref<400384xf32, #tpu.memory_space<hbm>>, %arg3: memref<2000000xi32, #tpu.memory_space<hbm>>, %arg4: memref<100096xf32, #tpu.memory_space<hbm>>, %arg5: memref<2000000xf32, #tpu.memory_space<hbm>>, %arg6: memref<100096xf32, #tpu.memory_space<vmem_shared>>, %arg7: memref<6256xf32, #tpu.memory_space<vmem>>, %arg8: memref<6256xf32, #tpu.memory_space<vmem>>, %arg9: memref<6256xf32, #tpu.memory_space<vmem>>, %arg10: memref<6256xf32, #tpu.memory_space<vmem>>, %arg11: memref<6256xf32, #tpu.memory_space<vmem>>, %arg12: memref<6256xf32, #tpu.memory_space<vmem>>, %arg13: memref<6256xi32, #tpu.memory_space<vmem>>, %arg14: memref<6256xi32, #tpu.memory_space<vmem>>, %arg15: memref<6256xf32, #tpu.memory_space<vmem>>, %arg16: memref<6256xf32, #tpu.memory_space<vmem>>, %arg17: memref<!tpu.dma_semaphore, #tpu.memory_space<semaphore_mem>>, %arg18: memref<!tpu.dma_semaphore, #tpu.memory_space<semaphore_mem>>, %arg19: memref<!tpu.dma_semaphore, #tpu.memory_space<semaphore_mem>>, %arg20: memref<!tpu.dma_semaphore, #tpu.memory_space<semaphore_mem>>, %arg21: memref<!tpu.dma_semaphore, #tpu.memory_space<semaphore_mem>>) attributes {dimension_semantics = [#tpu.dimension_semantics<core_parallel>, #tpu.dimension_semantics<subcore_parallel>], iteration_bounds = array<i64: 2, 16>, scalar_prefetch = 0 : i64, scratch_operands = 16 : i64, tpu.core_type = #tpu.core_type<sc_vector_subcore>, window_params = [{transform_indices = #map}, {transform_indices = #map}, {transform_indices = #map}, {transform_indices = #map}]} {
    %mul3A = arith.constant 2 : i32
    %mul3A_0 = arith.muli %arg1, %mul3A : i32
    %add3A = arith.addi %mul3A_0, %arg0 : i32
    %mul3A_1 = arith.constant 6256 : i32
    %mul3A_2 = arith.muli %arg1, %mul3A_1 : i32
    %multiple_of3A = tpu.assume_multiple %mul3A_2, 8 : i32
    %mul3A_3 = arith.constant 62560 : i32
    %mul3A_4 = arith.muli %add3A, %mul3A_3 : i32
    %min3A = arith.constant 1937440 : i32
    %min3A_5 = arith.minsi %mul3A_4, %min3A : i32
    %add3A_6 = arith.constant 0 : i32
    %add3A_7 = arith.addi %min3A_5, %add3A_6 : i32
    %multiple_of3A_8 = tpu.assume_multiple %add3A_7, 8 : i32
    %dma_start3A = tpu.memref_slice %arg3[%multiple_of3A_8] : memref<2000000xi32, #tpu.memory_space<hbm>> -> memref<6256xi32, #tpu.memory_space<hbm>>
    %dma_start3A_9 = tpu.memref_slice %arg3[%multiple_of3A_8] : memref<2000000xi32, #tpu.memory_space<hbm>> -> memref<6256xi32, #tpu.memory_space<hbm>>
    tpu.enqueue_dma source(%dma_start3A_9 : memref<6256xi32, #tpu.memory_space<hbm>>) target(%arg13 : memref<6256xi32, #tpu.memory_space<vmem>>) target_semaphore(%arg17 : memref<!tpu.dma_semaphore, #tpu.memory_space<semaphore_mem>>)
    %add3A_10 = arith.constant 6256 : i32
    %add3A_11 = arith.addi %min3A_5, %add3A_10 : i32
    %multiple_of3A_12 = tpu.assume_multiple %add3A_11, 8 : i32
    %dma_start3A_13 = tpu.memref_slice %arg3[%multiple_of3A_12] : memref<2000000xi32, #tpu.memory_space<hbm>> -> memref<6256xi32, #tpu.memory_space<hbm>>
    %dma_start3A_14 = tpu.memref_slice %arg3[%multiple_of3A_12] : memref<2000000xi32, #tpu.memory_space<hbm>> -> memref<6256xi32, #tpu.memory_space<hbm>>
    tpu.enqueue_dma source(%dma_start3A_14 : memref<6256xi32, #tpu.memory_space<hbm>>) target(%arg14 : memref<6256xi32, #tpu.memory_space<vmem>>) target_semaphore(%arg18 : memref<!tpu.dma_semaphore, #tpu.memory_space<semaphore_mem>>)
    %dma_start3A_15 = tpu.memref_slice %arg2[%multiple_of3A] : memref<400384xf32, #tpu.memory_space<hbm>> -> memref<6256xf32, #tpu.memory_space<hbm>>
    %dma_start3A_16 = tpu.memref_slice %arg2[%multiple_of3A] : memref<400384xf32, #tpu.memory_space<hbm>> -> memref<6256xf32, #tpu.memory_space<hbm>>
    tpu.enqueue_dma source(%dma_start3A_16 : memref<6256xf32, #tpu.memory_space<hbm>>) target(%arg7 : memref<6256xf32, #tpu.memory_space<vmem>>) target_semaphore(%arg21 : memref<!tpu.dma_semaphore, #tpu.memory_space<semaphore_mem>>)
    %add3A_17 = arith.constant 200192 : i32
    %add3A_18 = arith.addi %add3A_17, %multiple_of3A : i32
    %dma_start3A_19 = tpu.memref_slice %arg2[%add3A_18] : memref<400384xf32, #tpu.memory_space<hbm>> -> memref<6256xf32, #tpu.memory_space<hbm>>
    %dma_start3A_20 = tpu.memref_slice %arg2[%add3A_18] : memref<400384xf32, #tpu.memory_space<hbm>> -> memref<6256xf32, #tpu.memory_space<hbm>>
    tpu.enqueue_dma source(%dma_start3A_20 : memref<6256xf32, #tpu.memory_space<hbm>>) target(%arg8 : memref<6256xf32, #tpu.memory_space<vmem>>) target_semaphore(%arg21 : memref<!tpu.dma_semaphore, #tpu.memory_space<semaphore_mem>>)
    %add3A_21 = arith.constant 100096 : i32
    %add3A_22 = arith.addi %add3A_21, %multiple_of3A : i32
    %dma_start3A_23 = tpu.memref_slice %arg2[%add3A_22] : memref<400384xf32, #tpu.memory_space<hbm>> -> memref<6256xf32, #tpu.memory_space<hbm>>
    %dma_start3A_24 = tpu.memref_slice %arg2[%add3A_22] : memref<400384xf32, #tpu.memory_space<hbm>> -> memref<6256xf32, #tpu.memory_space<hbm>>
    tpu.enqueue_dma source(%dma_start3A_24 : memref<6256xf32, #tpu.memory_space<hbm>>) target(%arg9 : memref<6256xf32, #tpu.memory_space<vmem>>) target_semaphore(%arg21 : memref<!tpu.dma_semaphore, #tpu.memory_space<semaphore_mem>>)
    %add3A_25 = arith.constant 300288 : i32
    %add3A_26 = arith.addi %add3A_25, %multiple_of3A : i32
    %dma_start3A_27 = tpu.memref_slice %arg2[%add3A_26] : memref<400384xf32, #tpu.memory_space<hbm>> -> memref<6256xf32, #tpu.memory_space<hbm>>
    %dma_start3A_28 = tpu.memref_slice %arg2[%add3A_26] : memref<400384xf32, #tpu.memory_space<hbm>> -> memref<6256xf32, #tpu.memory_space<hbm>>
    tpu.enqueue_dma source(%dma_start3A_28 : memref<6256xf32, #tpu.memory_space<hbm>>) target(%arg10 : memref<6256xf32, #tpu.memory_space<vmem>>) target_semaphore(%arg21 : memref<!tpu.dma_semaphore, #tpu.memory_space<semaphore_mem>>)
    %dma_start3A_29 = tpu.memref_slice %arg4[%multiple_of3A] : memref<100096xf32, #tpu.memory_space<hbm>> -> memref<6256xf32, #tpu.memory_space<hbm>>
    %dma_start3A_30 = tpu.memref_slice %arg4[%multiple_of3A] : memref<100096xf32, #tpu.memory_space<hbm>> -> memref<6256xf32, #tpu.memory_space<hbm>>
    tpu.enqueue_dma source(%dma_start3A_30 : memref<6256xf32, #tpu.memory_space<hbm>>) target(%arg11 : memref<6256xf32, #tpu.memory_space<vmem>>) target_semaphore(%arg21 : memref<!tpu.dma_semaphore, #tpu.memory_space<semaphore_mem>>)
    %dma_wait3A = tpu.memref_slice %arg2[%multiple_of3A] : memref<400384xf32, #tpu.memory_space<hbm>> -> memref<6256xf32, #tpu.memory_space<hbm>>
    %dma_wait3A_31 = tpu.memref_slice %arg2[%multiple_of3A] : memref<400384xf32, #tpu.memory_space<hbm>> -> memref<6256xf32, #tpu.memory_space<hbm>>
    tpu.wait_dma2 semaphore(%arg21 : memref<!tpu.dma_semaphore, #tpu.memory_space<semaphore_mem>>) src(%dma_wait3A_31 : memref<6256xf32, #tpu.memory_space<hbm>>) dst(%arg7 : memref<6256xf32, #tpu.memory_space<vmem>>)
    %dma_wait3A_32 = tpu.memref_slice %arg2[%add3A_18] : memref<400384xf32, #tpu.memory_space<hbm>> -> memref<6256xf32, #tpu.memory_space<hbm>>
    %dma_wait3A_33 = tpu.memref_slice %arg2[%add3A_18] : memref<400384xf32, #tpu.memory_space<hbm>> -> memref<6256xf32, #tpu.memory_space<hbm>>
    tpu.wait_dma2 semaphore(%arg21 : memref<!tpu.dma_semaphore, #tpu.memory_space<semaphore_mem>>) src(%dma_wait3A_33 : memref<6256xf32, #tpu.memory_space<hbm>>) dst(%arg8 : memref<6256xf32, #tpu.memory_space<vmem>>)
    %dma_wait3A_34 = tpu.memref_slice %arg2[%add3A_22] : memref<400384xf32, #tpu.memory_space<hbm>> -> memref<6256xf32, #tpu.memory_space<hbm>>
    %dma_wait3A_35 = tpu.memref_slice %arg2[%add3A_22] : memref<400384xf32, #tpu.memory_space<hbm>> -> memref<6256xf32, #tpu.memory_space<hbm>>
    tpu.wait_dma2 semaphore(%arg21 : memref<!tpu.dma_semaphore, #tpu.memory_space<semaphore_mem>>) src(%dma_wait3A_35 : memref<6256xf32, #tpu.memory_space<hbm>>) dst(%arg9 : memref<6256xf32, #tpu.memory_space<vmem>>)
    %dma_wait3A_36 = tpu.memref_slice %arg2[%add3A_26] : memref<400384xf32, #tpu.memory_space<hbm>> -> memref<6256xf32, #tpu.memory_space<hbm>>
    %dma_wait3A_37 = tpu.memref_slice %arg2[%add3A_26] : memref<400384xf32, #tpu.memory_space<hbm>> -> memref<6256xf32, #tpu.memory_space<hbm>>
    tpu.wait_dma2 semaphore(%arg21 : memref<!tpu.dma_semaphore, #tpu.memory_space<semaphore_mem>>) src(%dma_wait3A_37 : memref<6256xf32, #tpu.memory_space<hbm>>) dst(%arg10 : memref<6256xf32, #tpu.memory_space<vmem>>)
    %dma_wait3A_38 = tpu.memref_slice %arg4[%multiple_of3A] : memref<100096xf32, #tpu.memory_space<hbm>> -> memref<6256xf32, #tpu.memory_space<hbm>>
    %dma_wait3A_39 = tpu.memref_slice %arg4[%multiple_of3A] : memref<100096xf32, #tpu.memory_space<hbm>> -> memref<6256xf32, #tpu.memory_space<hbm>>
    tpu.wait_dma2 semaphore(%arg21 : memref<!tpu.dma_semaphore, #tpu.memory_space<semaphore_mem>>) src(%dma_wait3A_39 : memref<6256xf32, #tpu.memory_space<hbm>>) dst(%arg11 : memref<6256xf32, #tpu.memory_space<vmem>>)
    %scan3A = arith.constant 0 : i32
    %scan3A_40 = arith.constant 0 : i32
    %scan3A_41 = arith.constant 391 : i32
    %scan3A_42 = arith.addi %scan3A_40, %scan3A_41 : i32
    %scan3A_43 = arith.constant 1 : i32
    %scan3A_44 = scf.for %scan3A_61 = %scan3A_40 to %scan3A_42 step %scan3A_43 iter_args(%scan3A_62 = %scan3A) -> (i32)  : i32 {
      %mul3A_63 = arith.constant 16 : i32
      %mul3A_64 = arith.muli %scan3A_61, %mul3A_63 : i32
      %get3A = arith.index_cast %mul3A_64 : i32 to index
      %get3A_65 = tpu.vector_load %arg7[%get3A] {strides = array<i32>} : memref<6256xf32, #tpu.memory_space<vmem>>, vector<16xf32>,
      %get3A_66 = vector.shape_cast %get3A_65 : vector<16xf32> to vector<16xf32>
      %get3A_67 = arith.index_cast %mul3A_64 : i32 to index
      %get3A_68 = tpu.vector_load %arg8[%get3A_67] {strides = array<i32>} : memref<6256xf32, #tpu.memory_space<vmem>>, vector<16xf32>,
      %get3A_69 = vector.shape_cast %get3A_68 : vector<16xf32> to vector<16xf32>
      %add3A_70 = arith.addf %get3A_66, %get3A_69 : vector<16xf32>
      %get3A_71 = arith.index_cast %mul3A_64 : i32 to index
      %get3A_72 = tpu.vector_load %arg9[%get3A_71] {strides = array<i32>} : memref<6256xf32, #tpu.memory_space<vmem>>, vector<16xf32>,
      %get3A_73 = vector.shape_cast %get3A_72 : vector<16xf32> to vector<16xf32>
      %get3A_74 = arith.index_cast %mul3A_64 : i32 to index
      %get3A_75 = tpu.vector_load %arg10[%get3A_74] {strides = array<i32>} : memref<6256xf32, #tpu.memory_space<vmem>>, vector<16xf32>,
      %get3A_76 = vector.shape_cast %get3A_75 : vector<16xf32> to vector<16xf32>
      %add3A_77 = arith.addf %get3A_73, %get3A_76 : vector<16xf32>
      %get3A_78 = arith.index_cast %mul3A_64 : i32 to index
      %get3A_79 = tpu.vector_load %arg11[%get3A_78] {strides = array<i32>} : memref<6256xf32, #tpu.memory_space<vmem>>, vector<16xf32>,
      %get3A_80 = vector.shape_cast %get3A_79 : vector<16xf32> to vector<16xf32>
      %max3A = arith.constant 1.000000e+00 : f32
      %max3A_81 = vector.broadcast %max3A : f32 to vector<16xf32>
      %max3A_82 = arith.maximumf %add3A_77, %max3A_81 : vector<16xf32>
      %div3A = arith.divf %add3A_70, %max3A_82 : vector<16xf32>
      %mul3A_83 = arith.constant -0.105360515 : f32
      %mul3A_84 = vector.broadcast %mul3A_83 : f32 to vector<16xf32>
      %mul3A_85 = arith.mulf %add3A_77, %mul3A_84 : vector<16xf32>
      %exp3A = math.exp %mul3A_85 : vector<16xf32>
      %gt3A = arith.constant 0.000000e+00 : f32
      %gt3A_86 = vector.broadcast %gt3A : f32 to vector<16xf32>
      %gt3A_87 = arith.cmpf ogt, %add3A_77, %gt3A_86 : vector<16xf32>
      %mul3A_88 = arith.mulf %exp3A, %get3A_80 : vector<16xf32>
      %sub3A = arith.constant 1.000000e+00 : f32
      %sub3A_89 = vector.broadcast %sub3A : f32 to vector<16xf32>
      %sub3A_90 = arith.subf %sub3A_89, %exp3A : vector<16xf32>
      %mul3A_91 = arith.mulf %sub3A_90, %div3A : vector<16xf32>
      %add3A_92 = arith.addf %mul3A_88, %mul3A_91 : vector<16xf32>
      %select_n3A = arith.select %gt3A_87, %add3A_92, %get3A_80 : vector<16xi1>, vector<16xf32>
      %swap3A = arith.index_cast %mul3A_64 : i32 to index
      %swap3A_93 = tpu.vector_load %arg12[%swap3A] {strides = array<i32>} : memref<6256xf32, #tpu.memory_space<vmem>>, vector<16xf32>,
      %swap3A_94 = vector.shape_cast %swap3A_93 : vector<16xf32> to vector<16xf32>
      %swap3A_95 = vector.shape_cast %select_n3A : vector<16xf32> to vector<16xf32>
      tpu.vector_store %arg12[%swap3A], %swap3A_95 {strides = array<i32>} : memref<6256xf32, #tpu.memory_space<vmem>>, vector<16xf32>,
      %scan3A_96 = arith.constant 0 : i32
      scf.yield %scan3A_96 : i32
    }
    %scan3A_45 = arith.constant 391 : i32
    "tpu.region"() ({
      %run_scoped3A = tpu.sem_alloc : memref<!tpu.dma_semaphore, #tpu.memory_space<semaphore_mem>>
      %dma_start3A_61 = tpu.memref_slice %arg6[%multiple_of3A] : memref<100096xf32, #tpu.memory_space<vmem_shared>> -> memref<6256xf32, #tpu.memory_space<vmem_shared>>
      %dma_start3A_62 = tpu.memref_slice %arg6[%multiple_of3A] : memref<100096xf32, #tpu.memory_space<vmem_shared>> -> memref<6256xf32, #tpu.memory_space<vmem_shared>>
      tpu.enqueue_dma source(%arg12 : memref<6256xf32, #tpu.memory_space<vmem>>) target(%dma_start3A_62 : memref<6256xf32, #tpu.memory_space<vmem_shared>>) target_semaphore(%run_scoped3A : memref<!tpu.dma_semaphore, #tpu.memory_space<semaphore_mem>>)
      %dma_wait3A_63 = tpu.memref_slice %arg6[%multiple_of3A] : memref<100096xf32, #tpu.memory_space<vmem_shared>> -> memref<6256xf32, #tpu.memory_space<vmem_shared>>
      %dma_wait3A_64 = tpu.memref_slice %arg6[%multiple_of3A] : memref<100096xf32, #tpu.memory_space<vmem_shared>> -> memref<6256xf32, #tpu.memory_space<vmem_shared>>
      tpu.wait_dma2 semaphore(%run_scoped3A : memref<!tpu.dma_semaphore, #tpu.memory_space<semaphore_mem>>) src(%arg12 : memref<6256xf32, #tpu.memory_space<vmem>>) dst(%dma_wait3A_64 : memref<6256xf32, #tpu.memory_space<vmem_shared>>)
      tpu.yield
    }) : () -> ()
    %barrier3A = arith.constant 0 : index
    tpu.barrier barrier_id(%barrier3A)
    %scan3A_46 = arith.constant 0 : i32
    %scan3A_47 = arith.constant 0 : i32
    %scan3A_48 = arith.constant 5 : i32
    %scan3A_49 = arith.addi %scan3A_47, %scan3A_48 : i32
    %scan3A_50 = arith.constant 1 : i32
    %scan3A_51 = scf.for %scan3A_61 = %scan3A_47 to %scan3A_49 step %scan3A_50 iter_args(%scan3A_62 = %scan3A_46) -> (i32)  : i32 {
      %dma_wait3A_63 = arith.constant 0 : i32
      %dma_wait3A_64 = tpu.memref_slice %arg3[%dma_wait3A_63] : memref<2000000xi32, #tpu.memory_space<hbm>> -> memref<6256xi32, #tpu.memory_space<hbm>>
      %dma_wait3A_65 = arith.constant 0 : i32
      %dma_wait3A_66 = tpu.memref_slice %arg3[%dma_wait3A_65] : memref<2000000xi32, #tpu.memory_space<hbm>> -> memref<6256xi32, #tpu.memory_space<hbm>>
      tpu.wait_dma2 semaphore(%arg17 : memref<!tpu.dma_semaphore, #tpu.memory_space<semaphore_mem>>) src(%dma_wait3A_66 : memref<6256xi32, #tpu.memory_space<hbm>>) dst(%arg13 : memref<6256xi32, #tpu.memory_space<vmem>>)
      %gt3A = arith.constant 0 : i32
      %gt3A_67 = arith.cmpi sgt, %scan3A_61, %gt3A : i32
      %convert_element_type3A = arith.extui %gt3A_67 : i1 to i32
      %cond3A = arith.constant 0 : i32
      %cond3A_68 = arith.cmpi ne, %convert_element_type3A, %cond3A : i32
      scf.if %cond3A_68 {
        %dma_wait3A_106 = arith.constant 0 : i32
        %dma_wait3A_107 = tpu.memref_slice %arg5[%dma_wait3A_106] : memref<2000000xf32, #tpu.memory_space<hbm>> -> memref<6256xf32, #tpu.memory_space<hbm>>
        %dma_wait3A_108 = arith.constant 0 : i32
        %dma_wait3A_109 = tpu.memref_slice %arg5[%dma_wait3A_108] : memref<2000000xf32, #tpu.memory_space<hbm>> -> memref<6256xf32, #tpu.memory_space<hbm>>
        tpu.wait_dma2 semaphore(%arg19 : memref<!tpu.dma_semaphore, #tpu.memory_space<semaphore_mem>>) src(%arg15 : memref<6256xf32, #tpu.memory_space<vmem>>) dst(%dma_wait3A_109 : memref<6256xf32, #tpu.memory_space<hbm>>)
      } else {
      }
      "tpu.region"() ({
        %run_scoped3A = tpu.sem_alloc : memref<!tpu.dma_semaphore, #tpu.memory_space<semaphore_mem>>
        %dma_start3A_106 = arith.constant 0 : i32
        %dma_start3A_107 = tpu.memref_slice %arg6[%dma_start3A_106] : memref<100096xf32, #tpu.memory_space<vmem_shared>> -> memref<100096xf32, #tpu.memory_space<vmem_shared>>
        tpu.enqueue_indirect_dma source(%dma_start3A_107 : memref<100096xf32, #tpu.memory_space<vmem_shared>>) target(%arg15 : memref<6256xf32, #tpu.memory_space<vmem>>) offsets(%arg13 : memref<6256xi32, #tpu.memory_space<vmem>>) semaphore(%run_scoped3A : memref<!tpu.dma_semaphore, #tpu.memory_space<semaphore_mem>>)
        %dma_wait3A_108 = arith.constant 0 : i32
        %dma_wait3A_109 = tpu.memref_slice %arg6[%dma_wait3A_108] : memref<100096xf32, #tpu.memory_space<vmem_shared>> -> memref<100096xf32, #tpu.memory_space<vmem_shared>>
        tpu.wait_indirect_dma semaphore(%run_scoped3A : memref<!tpu.dma_semaphore, #tpu.memory_space<semaphore_mem>>) src(%dma_wait3A_109 : memref<100096xf32, #tpu.memory_space<vmem_shared>>) dst(%arg15 : memref<6256xf32, #tpu.memory_space<vmem>>)
        tpu.yield
      }) : () -> ()
      %mul3A_69 = arith.constant 2 : i32
      %mul3A_70 = arith.muli %mul3A_69, %scan3A_61 : i32
      %mul3A_71 = arith.constant 6256 : i32
      %mul3A_72 = arith.muli %mul3A_70, %mul3A_71 : i32
      %add3A_73 = arith.addi %min3A_5, %mul3A_72 : i32
      %multiple_of3A_74 = tpu.assume_multiple %add3A_73, 8 : i32
      %dma_start3A_75 = tpu.memref_slice %arg5[%multiple_of3A_74] : memref<2000000xf32, #tpu.memory_space<hbm>> -> memref<6256xf32, #tpu.memory_space<hbm>>
      %dma_start3A_76 = tpu.memref_slice %arg5[%multiple_of3A_74] : memref<2000000xf32, #tpu.memory_space<hbm>> -> memref<6256xf32, #tpu.memory_space<hbm>>
      tpu.enqueue_dma source(%arg15 : memref<6256xf32, #tpu.memory_space<vmem>>) target(%dma_start3A_76 : memref<6256xf32, #tpu.memory_space<hbm>>) target_semaphore(%arg19 : memref<!tpu.dma_semaphore, #tpu.memory_space<semaphore_mem>>)
      %lt3A = arith.constant 4 : i32
      %lt3A_77 = arith.cmpi slt, %scan3A_61, %lt3A : i32
      %convert_element_type3A_78 = arith.extui %lt3A_77 : i1 to i32
      %cond3A_79 = arith.constant 0 : i32
      %cond3A_80 = arith.cmpi ne, %convert_element_type3A_78, %cond3A_79 : i32
      scf.if %cond3A_80 {
        %mul3A_106 = arith.constant 2 : i32
        %mul3A_107 = arith.muli %mul3A_106, %scan3A_61 : i32
        %add3A_108 = arith.constant 2 : i32
        %add3A_109 = arith.addi %mul3A_107, %add3A_108 : i32
        %mul3A_110 = arith.constant 6256 : i32
        %mul3A_111 = arith.muli %add3A_109, %mul3A_110 : i32
        %add3A_112 = arith.addi %min3A_5, %mul3A_111 : i32
        %multiple_of3A_113 = tpu.assume_multiple %add3A_112, 8 : i32
        %dma_start3A_114 = tpu.memref_slice %arg3[%multiple_of3A_113] : memref<2000000xi32, #tpu.memory_space<hbm>> -> memref<6256xi32, #tpu.memory_space<hbm>>
        %dma_start3A_115 = tpu.memref_slice %arg3[%multiple_of3A_113] : memref<2000000xi32, #tpu.memory_space<hbm>> -> memref<6256xi32, #tpu.memory_space<hbm>>
        tpu.enqueue_dma source(%dma_start3A_115 : memref<6256xi32, #tpu.memory_space<hbm>>) target(%arg13 : memref<6256xi32, #tpu.memory_space<vmem>>) target_semaphore(%arg17 : memref<!tpu.dma_semaphore, #tpu.memory_space<semaphore_mem>>)
      } else {
      }
      %dma_wait3A_81 = arith.constant 0 : i32
      %dma_wait3A_82 = tpu.memref_slice %arg3[%dma_wait3A_81] : memref<2000000xi32, #tpu.memory_space<hbm>> -> memref<6256xi32, #tpu.memory_space<hbm>>
      %dma_wait3A_83 = arith.constant 0 : i32
      %dma_wait3A_84 = tpu.memref_slice %arg3[%dma_wait3A_83] : memref<2000000xi32, #tpu.memory_space<hbm>> -> memref<6256xi32, #tpu.memory_space<hbm>>
      tpu.wait_dma2 semaphore(%arg18 : memref<!tpu.dma_semaphore, #tpu.memory_space<semaphore_mem>>) src(%dma_wait3A_84 : memref<6256xi32, #tpu.memory_space<hbm>>) dst(%arg14 : memref<6256xi32, #tpu.memory_space<vmem>>)
      %gt3A_85 = arith.constant 0 : i32
      %gt3A_86 = arith.cmpi sgt, %scan3A_61, %gt3A_85 : i32
      %convert_element_type3A_87 = arith.extui %gt3A_86 : i1 to i32
      %cond3A_88 = arith.constant 0 : i32
      %cond3A_89 = arith.cmpi ne, %convert_element_type3A_87, %cond3A_88 : i32
      scf.if %cond3A_89 {
        %dma_wait3A_106 = arith.constant 0 : i32
        %dma_wait3A_107 = tpu.memref_slice %arg5[%dma_wait3A_106] : memref<2000000xf32, #tpu.memory_space<hbm>> -> memref<6256xf32, #tpu.memory_space<hbm>>
        %dma_wait3A_108 = arith.constant 0 : i32
        %dma_wait3A_109 = tpu.memref_slice %arg5[%dma_wait3A_108] : memref<2000000xf32, #tpu.memory_space<hbm>> -> memref<6256xf32, #tpu.memory_space<hbm>>
        tpu.wait_dma2 semaphore(%arg20 : memref<!tpu.dma_semaphore, #tpu.memory_space<semaphore_mem>>) src(%arg16 : memref<6256xf32, #tpu.memory_space<vmem>>) dst(%dma_wait3A_109 : memref<6256xf32, #tpu.memory_space<hbm>>)
      } else {
      }
      "tpu.region"() ({
        %run_scoped3A = tpu.sem_alloc : memref<!tpu.dma_semaphore, #tpu.memory_space<semaphore_mem>>
        %dma_start3A_106 = arith.constant 0 : i32
        %dma_start3A_107 = tpu.memref_slice %arg6[%dma_start3A_106] : memref<100096xf32, #tpu.memory_space<vmem_shared>> -> memref<100096xf32, #tpu.memory_space<vmem_shared>>
        tpu.enqueue_indirect_dma source(%dma_start3A_107 : memref<100096xf32, #tpu.memory_space<vmem_shared>>) target(%arg16 : memref<6256xf32, #tpu.memory_space<vmem>>) offsets(%arg14 : memref<6256xi32, #tpu.memory_space<vmem>>) semaphore(%run_scoped3A : memref<!tpu.dma_semaphore, #tpu.memory_space<semaphore_mem>>)
        %dma_wait3A_108 = arith.constant 0 : i32
        %dma_wait3A_109 = tpu.memref_slice %arg6[%dma_wait3A_108] : memref<100096xf32, #tpu.memory_space<vmem_shared>> -> memref<100096xf32, #tpu.memory_space<vmem_shared>>
        tpu.wait_indirect_dma semaphore(%run_scoped3A : memref<!tpu.dma_semaphore, #tpu.memory_space<semaphore_mem>>) src(%dma_wait3A_109 : memref<100096xf32, #tpu.memory_space<vmem_shared>>) dst(%arg16 : memref<6256xf32, #tpu.memory_space<vmem>>)
        tpu.yield
      }) : () -> ()
      %mul3A_90 = arith.constant 2 : i32
      %mul3A_91 = arith.muli %mul3A_90, %scan3A_61 : i32
      %add3A_92 = arith.constant 1 : i32
      %add3A_93 = arith.addi %mul3A_91, %add3A_92 : i32
      %mul3A_94 = arith.constant 6256 : i32
      %mul3A_95 = arith.muli %add3A_93, %mul3A_94 : i32
      %add3A_96 = arith.addi %min3A_5, %mul3A_95 : i32
      %multiple_of3A_97 = tpu.assume_multiple %add3A_96, 8 : i32
      %dma_start3A_98 = tpu.memref_slice %arg5[%multiple_of3A_97] : memref<2000000xf32, #tpu.memory_space<hbm>> -> memref<6256xf32, #tpu.memory_space<hbm>>
      %dma_start3A_99 = tpu.memref_slice %arg5[%multiple_of3A_97] : memref<2000000xf32, #tpu.memory_space<hbm>> -> memref<6256xf32, #tpu.memory_space<hbm>>
      tpu.enqueue_dma source(%arg16 : memref<6256xf32, #tpu.memory_space<vmem>>) target(%dma_start3A_99 : memref<6256xf32, #tpu.memory_space<hbm>>) target_semaphore(%arg20 : memref<!tpu.dma_semaphore, #tpu.memory_space<semaphore_mem>>)
      %lt3A_100 = arith.constant 4 : i32
      %lt3A_101 = arith.cmpi slt, %scan3A_61, %lt3A_100 : i32
      %convert_element_type3A_102 = arith.extui %lt3A_101 : i1 to i32
      %cond3A_103 = arith.constant 0 : i32
      %cond3A_104 = arith.cmpi ne, %convert_element_type3A_102, %cond3A_103 : i32
      scf.if %cond3A_104 {
        %mul3A_106 = arith.constant 2 : i32
        %mul3A_107 = arith.muli %mul3A_106, %scan3A_61 : i32
        %add3A_108 = arith.constant 3 : i32
        %add3A_109 = arith.addi %mul3A_107, %add3A_108 : i32
        %mul3A_110 = arith.constant 6256 : i32
        %mul3A_111 = arith.muli %add3A_109, %mul3A_110 : i32
        %add3A_112 = arith.addi %min3A_5, %mul3A_111 : i32
        %multiple_of3A_113 = tpu.assume_multiple %add3A_112, 8 : i32
        %dma_start3A_114 = tpu.memref_slice %arg3[%multiple_of3A_113] : memref<2000000xi32, #tpu.memory_space<hbm>> -> memref<6256xi32, #tpu.memory_space<hbm>>
        %dma_start3A_115 = tpu.memref_slice %arg3[%multiple_of3A_113] : memref<2000000xi32, #tpu.memory_space<hbm>> -> memref<6256xi32, #tpu.memory_space<hbm>>
        tpu.enqueue_dma source(%dma_start3A_115 : memref<6256xi32, #tpu.memory_space<hbm>>) target(%arg14 : memref<6256xi32, #tpu.memory_space<vmem>>) target_semaphore(%arg18 : memref<!tpu.dma_semaphore, #tpu.memory_space<semaphore_mem>>)
      } else {
      }
      %scan3A_105 = arith.constant 0 : i32
      scf.yield %scan3A_105 : i32
    }
    %scan3A_52 = arith.constant 5 : i32
    %dma_wait3A_53 = arith.constant 0 : i32
    %dma_wait3A_54 = tpu.memref_slice %arg5[%dma_wait3A_53] : memref<2000000xf32, #tpu.memory_space<hbm>> -> memref<6256xf32, #tpu.memory_space<hbm>>
    %dma_wait3A_55 = arith.constant 0 : i32
    %dma_wait3A_56 = tpu.memref_slice %arg5[%dma_wait3A_55] : memref<2000000xf32, #tpu.memory_space<hbm>> -> memref<6256xf32, #tpu.memory_space<hbm>>
    tpu.wait_dma2 semaphore(%arg19 : memref<!tpu.dma_semaphore, #tpu.memory_space<semaphore_mem>>) src(%arg15 : memref<6256xf32, #tpu.memory_space<vmem>>) dst(%dma_wait3A_56 : memref<6256xf32, #tpu.memory_space<hbm>>)
    %dma_wait3A_57 = arith.constant 0 : i32
    %dma_wait3A_58 = tpu.memref_slice %arg5[%dma_wait3A_57] : memref<2000000xf32, #tpu.memory_space<hbm>> -> memref<6256xf32, #tpu.memory_space<hbm>>
    %dma_wait3A_59 = arith.constant 0 : i32
    %dma_wait3A_60 = tpu.memref_slice %arg5[%dma_wait3A_59] : memref<2000000xf32, #tpu.memory_space<hbm>> -> memref<6256xf32, #tpu.memory_space<hbm>>
    tpu.wait_dma2 semaphore(%arg20 : memref<!tpu.dma_semaphore, #tpu.memory_space<semaphore_mem>>) src(%arg16 : memref<6256xf32, #tpu.memory_space<vmem>>) dst(%dma_wait3A_60 : memref<6256xf32, #tpu.memory_space<hbm>>)
    return
  }
}

</mosaic_0001>

<sc_bundles>
// kernel: _smoother.4.cloned.1.call-start
scs
__scs_entry_jumppad:
0x0: {  	(pc) =	sbr.rel $0x88, $3  }
0x1: {  	(tag) =	ssettag $0x0;
	lr =	simm.s32 $0x1  }
0x2: {  	[smem:$0x3F9E] =	sst lr;
	_ =	strace $0xD0000000  }
0x3: {  	_ = 	snop  }
0x4: {  	_ = 	snop  }
0x5: {  	_ = 	snop  }
0x6: {  	_ = 	snop  }
0x7: {  	_ = 	snop  }
__scs_overlays_trampoline_lowered:
0x8: {  	[smem:$0x3FAD] =	sst s0  }
0x9: {  	[smem:$0x3FAE] =	sst s1  }
0xa: {  	[smem:$0x3FAF] =	sst s2  }
0xb: {  	[smem:$0x3FB0] =	sst s3  }
0xc: {  	[smem:$0x3FB1] =	sst s4  }
0xd: {  	[smem:$0x3FB2] =	sst s5  }
0xe: {  	[smem:$0x3FB3] =	sst s6  }
0xf: {  	[smem:$0x3FB4] =	sst s7  }
0x10: {  	[smem:$0x3FB5] =	sst s8  }
0x11: {  	[smem:$0x3FB6] =	sst s9;
	s0 =	simm.s32 @!p0 $0x0  }
0x12: {  	s1 =	sld [smem:$0x3F9C];
	s0 =	simm.s32 @p0 $0x1  }
0x13: {  	[smem:$0x3FB7] =	sst s0;
	s0 =	simm.s32 @!p1 $0x0  }
0x14: {  	s2 =	sld [smem:$0x3F9B];
	s0 =	simm.s32 @p1 $0x1  }
0x15: {  	[smem:$0x3FB8] =	sst s0;
	s0 =	simm.s32 @!p2 $0x0  }
0x16: {  	s3 =	sld [smem:$0x3FDB];
	s0 =	simm.s32 @p2 $0x1  }
0x17: {  	s4 =	simm.s32 $0x1BF5;
	[smem:$0x3FBA] =	sst s0  }
0x18: {  	s0 =	sld [smem:$0x3F9D];
	_ =	swait.ge [sflag:s4], $0x0  }
0x19: {  	s7 =	sld [smem:$0x3F9E]  }
0x1a: {  	s8 =	sadd.s32 $0xFFFFE003, lr  }
0x1b: {  	s9 =	sadd.s32 $0xFFFFFEF7, lr;
	s5 =	simm.s32 $0xFFFFFFFF;
	p2 =	slt.u32 s8, $0xFFFFF086  }
0x1c: {  	p1 =	slt.u32 s9, $0xF7A;
	s5 =	simm.s32 @!p2 $0x0  }
0x1d: {  	s5 =	simm.s32 @p1 $0x1;
	p0 =	seq.s32 s7, s2  }
0x1e: {  	s7 =	smul.u32 @!p0 $0xF7A, s2;
	p2 =	seq.s32 @!p0 s5, $0x0  }
0x1f: {  	s9 =	smul.u32 $0xF7A, s1;
	s8 =	simm.s32 @!p0 $0x1BF5;
	p2 =	por !p2, p0  }
0x20: {  	[sflag:s8] =	ssyncset.s32 @!p0 $0xFFFFF086;
	s6 =	sadd.s32 @!p0 s3, s7;
	s7 =	simm.s32 @!p0 $0x108  }
0x21: {  	s3 =	sadd.s32 s3, s9;
	s6 =	sadd.s32 @!p0 $0x88, s6;
	s7 =	simm.s32 @p2 $0x1082  }
0x22: {  	[simem:s7], [sflag:s8] =	dma.local @!p0 [hbm:s6], $0xF7A  }
0x23: {  	s9 =	sor.u32 $0xD0000000, s2;
	s6 =	simm.s32 $0x108;
	_ =	swait.ge @!p0 [sflag:s8], $0x0  }
0x24: {  	s3 =	sadd.s32 $0x88, s3;
	s6 =	simm.s32 @!p1 $0x1082;
	[sflag:s4] =	ssyncset.s32 $0xFFFFF086  }
0x25: {  	[simem:s6], [sflag:s4] =	dma.local [hbm:s3], $0xF7A  }
0x26: {  	[smem:$0x3F9E] =	sst s1;
	(tag) =	ssettag s2;
	_ =	strace s9  }
0x27: {  	s1 =	sld [smem:$0x3FAE]  }
0x28: {  	s2 =	sld [smem:$0x3FAF]  }
0x29: {  	s4 =	sld [smem:$0x3FB1]  }
0x2a: {  	p0 =	seq.s32 s5, $0x0;
	s5 =	sld [smem:$0x3FB2]  }
0x2b: {  	s6 =	sld [smem:$0x3FB3]  }
0x2c: {  	s7 =	sld [smem:$0x3FB4]  }
0x2d: {  	s3 =	simm.s32 $0x108;
	s8 =	sld [smem:$0x3FB5]  }
0x2e: {  	s3 =	simm.s32 @!p0 $0x1082;
	s9 =	sld [smem:$0x3FB6]  }
0x2f: {  	lr =	sadd.s32 s0, s3;
	s0 =	sld [smem:$0x3FAD]  }
0x30: {  	s3 =	sld [smem:$0x3FB0]  }
0x31: {  	[smem:$0x3FB9] =	sst s10  }
0x32: {  	s10 =	sld [smem:$0x3FB7];
	_ =	sdelay $0x3  }
0x33: {  	p0 =	seq.s32 s10, $0x1;
	s10 =	sld [smem:$0x3FB9];
	_ =	sdelay $0x3  }
0x34: {  	[smem:$0x3FB9] =	sst s10  }
0x35: {  	s10 =	sld [smem:$0x3FB8];
	_ =	sdelay $0x3  }
0x36: {  	p1 =	seq.s32 s10, $0x1;
	s10 =	sld [smem:$0x3FB9];
	_ =	sdelay $0x3  }
0x37: {  	[smem:$0x3FB9] =	sst s10  }
0x38: {  	s10 =	sld [smem:$0x3FBA]  }
0x39: {  	_ = 	snop;
	(pc) =	sbr.ind lr, $3  }
0x3a: {  	_ = 	snop  }
0x3b: {  	_ = 	snop  }
0x3c: {  	p2 =	seq.s32 s10, $0x1;
	s10 =	sld [smem:$0x3FB9]  }
0x3d: {  	_ =	shalt  }
0x3e: {  	_ =	shalt  }
0x3f: {  	_ =	shalt  }
0x40: {  	_ =	shalt  }
0x41: {  	_ =	shalt  }
0x42: {  	_ =	shalt  }
0x43: {  	_ =	shalt  }
0x44: {  	_ =	shalt  }
0x45: {  	_ =	shalt  }
0x46: {  	_ =	shalt  }
0x47: {  	_ =	shalt  }
0x48: {  	_ =	shalt  }
0x49: {  	_ =	shalt  }
0x4a: {  	_ =	shalt  }
0x4b: {  	_ =	shalt  }
0x4c: {  	_ =	shalt  }
0x4d: {  	_ =	shalt  }
0x4e: {  	_ =	shalt  }
0x4f: {  	_ =	shalt  }
0x50: {  	_ =	shalt  }
0x51: {  	_ =	shalt  }
0x52: {  	_ =	shalt  }
0x53: {  	_ =	shalt  }
0x54: {  	_ =	shalt  }
0x55: {  	_ =	shalt  }
0x56: {  	_ =	shalt  }
0x57: {  	_ =	shalt  }
0x58: {  	_ =	shalt  }
0x59: {  	_ =	shalt  }
0x5a: {  	_ =	shalt  }
0x5b: {  	_ =	shalt  }
0x5c: {  	_ =	shalt  }
0x5d: {  	_ =	shalt  }
0x5e: {  	_ =	shalt  }
0x5f: {  	_ =	shalt  }
0x60: {  	_ =	shalt  }
0x61: {  	_ =	shalt  }
0x62: {  	_ =	shalt  }
0x63: {  	_ =	shalt  }
0x64: {  	_ =	shalt  }
0x65: {  	_ =	shalt  }
0x66: {  	_ =	shalt  }
0x67: {  	_ =	shalt  }
0x68: {  	_ =	shalt  }
0x69: {  	_ =	shalt  }
0x6a: {  	_ =	shalt  }
0x6b: {  	_ =	shalt  }
0x6c: {  	_ =	shalt  }
0x6d: {  	_ =	shalt  }
0x6e: {  	_ =	shalt  }
0x6f: {  	_ =	shalt  }
0x70: {  	_ =	shalt  }
0x71: {  	_ =	shalt  }
0x72: {  	_ =	shalt  }
0x73: {  	_ =	shalt  }
0x74: {  	_ =	shalt  }
0x75: {  	_ =	shalt  }
0x76: {  	_ =	shalt  }
0x77: {  	_ =	shalt  }
0x78: {  	_ =	shalt  }
0x79: {  	_ =	shalt  }
0x7a: {  	_ =	shalt  }
0x7b: {  	_ =	shalt  }
0x7c: {  	_ =	shalt  }
0x7d: {  	_ =	shalt  }
0x7e: {  	_ =	shalt  }
0x7f: {  	_ =	shalt  }
0x80: {  	_ =	shalt  }
0x81: {  	_ =	shalt  }
0x82: {  	_ =	shalt  }
0x83: {  	_ =	shalt  }
0x84: {  	_ =	shalt  }
0x85: {  	_ =	shalt  }
0x86: {  	_ =	shalt  }
0x87: {  	_ =	shalt  }
.Lfunc_end0:
.L_simem_size_0:
called_computation_lowered:
.L_overlay_start_0:
0x88: {  	s2 =	sld [smem:$0x3FD9]  }
0x89: {  	s3 =	sld [smem:$0x3FFE];
	_ =	sdelay $0x1  }
0x8a: {  	s1 =	srdreg.scid  }
0x8b: {  	s0 =	sand.u32 $0x1, s1  }
0x8c: {  	s17 =	sshll.u32 s0, $0xA;
	s2 =	sadd.s32 s3, s2  }
0x8d: {  	s2 =	sadd.s32 s2, s17  }
0x8e: {  	[smem:$0x3FC5] =	sst s2  }
0x8f: {  	_ = 	snop  }
0x90: {  	s2 =	sld [smem:$0x3FC9]  }
0x91: {  	s18 =	sld [smem:$0x3FC8];
	(tm) =	ssettm $0x1  }
0x92: {  	s4 =	sld [smem:$0x3FFB];
	_ =	sdelay $0x3  }
0x93: {  	_ =	strace s4  }
0x94: {  	s4 =	sld [smem:$0x3FFC];
	_ =	sdelay $0x3  }
0x95: {  	_ =	strace s4  }
0x96: {  	s4 =	sld [smem:$0x3FFD];
	_ =	sdelay $0x3  }
0x97: {  	_ =	strace s4  }
0x98: {  	_ =	strace $0x8FFFFFFF  }
0x99: {  	s19 =	sld [smem:$0x3FDB];
	_ =	sdelay $0x1  }
0x9a: {  	s5 =	simm.s32 $_scs_section_size  }
0x9b: {  	s6 =	simm.s32 $_size__tile_overlayer_lowered;
	s7 =	simm.s32 $_tile_overlayer_lowered  }
0x9c: {  	s22 =	simm.s32 $0x1BFF;
	s21 =	sshll.u32 s7, $0x1;
	s4 =	sadd.s32 s5, s19  }
0x9d: {  	s8 =	simm.s32 $0x0;
	s20 =	sshll.u32 s6, $0x1;
	s6 =	sadd.s32 s21, s4  }
0x9e: {  	[timem:s8], [sflag:s22] =	dma.local [hbm:s6], s20  }
0x9f: {  	_ =	swait.ge [sflag:s22], s20  }
0xa0: {  	s5 =	ssub.s32 $0x0, s20;
	[sflag:s22] =	ssyncset.done $0x0  }
0xa1: {  	[sflag:s22] =	ssyncadd.s32 s5;
	_ =	sdelay $0x1  }
0xa2: {  	s23 =	simm.s32 $0x1B8B  }
0xa3: {  	_ =	swait.ge [sflag:s23], $0x1  }
0xa4: {  	[sflag:s23] =	ssyncset.done $0x0  }
0xa5: {  	s25 =	simm.s32 $0x1B8E;
	s24 =	sld [smem:$0x3FFE];
	[sflag:s23] =	ssyncadd.s32 $0xFFFFFFFF  }
0xa6: {  	s26 =	simm.s32 $execute0_lowered;
	[smem:$0x3FD2] =	sst s25  }
0xa7: {  	s6 =	sshll.u32 s26, $0x1;
	_ =	strace $0x80000046;
	[dreg:$0x1] =	wrdreg $0xFFFFFFFF  }
0xa8: {  	s28 =	simm.s32 $_size_execute0_lowered;
	s4 =	sadd.s32 s4, s6;
	[dreg:$0x0] =	wrdreg $0x0  }
0xa9: {  	s6 =	sshll.u32 s28, $0x1;
	[dreg:$0x2] =	wrdreg s4  }
0xaa: {  	[dreg:$0x3] =	wrdreg s6  }
0xab: {  	[dreg:$0x4] =	wrdreg $0xC0  }
0xac: {  	_ =	task [dreg:s8], $0x5FFFF  }
0xad: {  	[dreg:$0x1] =	wrdreg $0xFFFFFFFF  }
0xae: {  	[dreg:$0x0] =	wrdreg $0x60  }
0xaf: {  	[dreg:$0x2] =	wrdreg s2  }
0xb0: {  	[dreg:$0x3] =	wrdreg s18  }
0xb1: {  	[dreg:$0x4] =	wrdreg s24  }
0xb2: {  	[dreg:$0x5] =	wrdreg $0x0  }
0xb3: {  	[dreg:$0x6] =	wrdreg $0x18700  }
0xb4: {  	[dreg:$0x7] =	wrdreg $0x9  }
0xb5: {  	_ =	task.clear_ibuf [dreg:s8], $0x8FFFF;
	_ =	strace $0x90000046  }
0xb6: {  	s29 =	simm.s32 $0x9;
	_ =	strace $0x80000048  }
0xb7: {  	_ =	swait.ge [sflag:s29], $0x1  }
0xb8: {  	[sflag:s29] =	ssyncadd.s32 $0xFFFFFFFF  }
0xb9: {  	_ =	strace $0x90000048  }
0xba: {  	_ =	sfence  }
0xbb: {  	s30 =	sld [smem:$0x0];
	_ =	sdelay $0x2  }
0xbc: {  	s31 =	sshll.u32 s1, $0xD;
	s1 =	sshrl.u32 s1, $0x2  }
0xbd: {  	s3 =	sand.u32 $0x4000, s31;
	s1 =	sadd.s32 s1, s30  }
0xbe: {  	s0 =	sor.u32 s3, s0;
	s1 =	sshll.u32 s1, $0x11  }
0xbf: {  	s0 =	sor.u32 s1, s0  }
0xc0: {  	s0 =	sadd.s32 $0x8F2B, s0  }
0xc1: {  	[sflag:s0] =	ssyncadd.remote.s32 $0x1  }
0xc2: {  	_ =	sfence.sel $0xFFFF  }
0xc3: {  	[dreg:$0x0] =	wrdreg $0xFFFFFFFF;
	(pc) =	sbr.abs _section_cstart, $3  }
0xc4: {  	[dreg:$0x1] =	wrdreg $0xFFFFFFFF  }
0xc5: {  	_ =	task.clear_ibuf [dreg:s8], $0x2FFFF;
	_ =	strace $0x9FFFFFFF  }
0xc6: {  	(tm) =	ssettm $0x7FFFFFFF  }
0xc7: {  	_ =	shalt  }
tec
execute0_lowered:
.L_overlay_start_1:
0x0: {  	(tag) =	ssettag $0x1  }
0x1: {  	s0 =	rddreg [dreg:$0x0]  }
0x2: {  	s1 =	rddreg [dreg:$0x1]  }
0x3: {  	s5 =	rddreg [dreg:$0x2]  }
0x4: {  	s2 =	rddreg [dreg:$0x3]  }
0x5: {  	s3 =	rddreg [dreg:$0x4];
	s4 =	srdreg.scid  }
0x6: {  	s13 =	stileid.u32;
	s28 =	simm.s32 $0x80E0;
	s29 =	simm.s32 $0x3  }
0x7: {  	s30 =	simm.s32 $0x4;
	s31 =	simm.s32 $0x5;
	s7 =	smul.u32 $0x1870, s13  }
0x8: {  	s6 =	sand.u32 $0x1, s4;
	s4 =	simm.s32 $0x0;
	s24 =	smul.u32 $0x4E2, s13  }
0x9: {  	s9 =	sshll.u32 s13, $0x1;
	p0 =	sgt.u32 s13, $0x7;
	s8 =	smul.u32 $0x30E00, s6  }
0xa: {  	[smem:$0x7FF] =	sst s4;
	s9 =	sor.u32 s6, s9;
	s26 =	smul.u32 $0x271, s6  }
0xb: {  	s11 =	ssub.s32 $0x2, s6;
	s6 =	simm.s32 $0xAD60;
	s10 =	smul.u32 $0x1388, s9  }
0xc: {  	_ =	strace $0x80000047;
	s9 =	smul.u32 $0x271, s9;
	s8 =	sadd.s32 s7, s8  }
0xd: {  	s17 =	sshrl.u32 s11, $0x1;
	s8 =	sshrl.u32 s8, $0x3;
	s12 =	sshrl.u32 s10, $0x3  }
0xe: {  	s18 =	sadd.s32 s0, s9;
	s9 =	sadd.s32 s1, s9;
	s10 =	sadd.s32 s7, s3  }
0xf: {  	s5 =	sadd.s32 s8, s5;
	s8 =	ssub.s32 s11, s17;
	[dreg:$0x6] =	wrdreg s18  }
0x10: {  	s19 =	sadd.s32 $0x4E20, s12;
	[dreg:$0x7] =	wrdreg s9;
	s9 =	sadd.s32 s7, s2  }
0x11: {  	s22 =	sadd.s32 $0x3A980, s12;
	s18 =	simm.s32 $0x30E0;
	s20 =	sadd.s32 s0, s19  }
0x12: {  	s21 =	sadd.s32 s1, s19;
	s23 =	sadd.s32 s0, s22;
	s7 =	sadd.s32 s1, s22  }
0x13: {  	s25 =	sadd.s32 $0x800, s5;
	s14 =	sadd.s32 $0x38E0, s5;
	[dreg:$0x8] =	wrdreg s20  }
0x14: {  	s15 =	smax.u32 s8, $0x1;
	s0 =	sadd.s32 s24, s0;
	[dreg:$0x9] =	wrdreg s21  }
0x15: {  	s1 =	sadd.s32 s24, s1;
	s19 =	simm.s32 $0x58E0;
	[dreg:$0xa] =	wrdreg s23  }
0x16: {  	s22 =	simm.s32 $0x94E0;
	s24 =	simm.s32 $0x1;
	[dreg:$0xb] =	wrdreg s7  }
0x17: {  	s5 =	simm.s32 $0x8;
	[dreg:$0xc] =	wrdreg s25;
	s16 =	sadd.s32 s26, s0  }
0x18: {  	s17 =	sadd.s32 s26, s1;
	s20 =	simm.s32 $0x44E0;
	s21 =	simm.s32 $0x6CE0  }
0x19: {  	s23 =	simm.s32 $0x9;
	s25 =	simm.s32 $0x2;
	s26 =	simm.s32 $0x1388  }
0x1a: {  	v0 =	vimm.f32 $0.0e+00;
	v1 =	vimm.f32 $1.000000000e+00;
	s0 =	simm.s32 $0x6;
	s1 =	simm.s32 $0x7;
	s7 =	simm.s32 $0x0  }
.LBB2_1:
0x1b: {  	s8 =	rddreg [dreg:$0x6]  }
0x1c: {  	[tilespmem:s18], [sflag:$0x1] =	stream.linear.gather [hbm4b:s8+s4], $0x1388, $0x38;
	[tilespmem:$0xC5E0] =	vst v63  }
0x1d: {  	s11 =	rddreg [dreg:$0x7]  }
0x1e: {  	[tilespmem:s19], [sflag:$0x2] =	stream.linear.gather [hbm4b:s11+s4], $0x1388, $0x38;
	[tilespmem:$0xC5E0] =	vst v63  }
0x1f: {  	s12 =	rddreg [dreg:$0x8]  }
0x20: {  	[tilespmem:s20], [sflag:$0x3] =	stream.linear.gather [hbm4b:s12+s4], $0x1388, $0x38;
	[tilespmem:$0xC5E0] =	vst v63  }
0x21: {  	s13 =	rddreg [dreg:$0x9];
	s8 =	simm.s32 $0x0  }
0x22: {  	[tilespmem:s21], [sflag:$0x4] =	stream.linear.gather [hbm4b:s13+s4], $0x1388, $0x38;
	[tilespmem:$0xC5E0] =	vst v63  }
.LBB2_2:
0x23: {  	p1 =	sne.s32 s8, $0x6180  }
.Ltmp0:
0x24: {  	_ = 	snop;
	(pc) =	sbr.rel @p1 .LBB2_2-.Ltmp0, $3  }
0x25: {  	_ =	sdelay $0x1  }
0x26: {  	s11 =	sshra.s32 s8, $0x2  }
0x27: {  	s8 =	sadd.s32 $0x40, s8;
	[tilespmem:s11+$0x94E0] =	vst v0  }
0x28: {  	s8 =	simm.s32 $0x40;
	s11 =	simm.s32 $0x0  }
.LBB2_4:
0x29: {  	p1 =	sne.s32 s8, $0x4E00;
	[tilespmem:s11+$0x80E0] =	vst v1;
	s11 =	smov.u32 s8;
	s8 =	sadd.s32 $0x40, s8  }
.Ltmp1:
0x2a: {  	(pc) =	sbr.rel @p1 .LBB2_4-.Ltmp1, $2  }
0x2b: {  	_ =	sdelay $0x2  }
0x2c: {  	s11 =	sshra.s32 s11, $0x2  }
0x2d: {  	[tilespmem:s11+$0x80E0] =	vst v1  }
0x2e: {  	[spmem:s9] =	stream.linear.scatter [tilespmem:s22], [sflag:$0x9], $0x1870, $0x38;
	[tilespmem:$0xC5E0] =	vst v63  }
0x2f: {  	_ =	swait.ge [sflag:s23], $0x1870  }
0x30: {  	[sflag:s23] =	ssyncset.done $0x0  }
0x31: {  	[sflag:s23] =	ssyncadd.s32 $0xFFFFE790  }
0x32: {  	[spmem:s10] =	stream.linear.scatter [tilespmem:s22], [sflag:$0x9], $0x1870, $0x38;
	[tilespmem:$0xC5E0] =	vst v63  }
0x33: {  	_ =	swait.ge [sflag:s23], $0x1870  }
0x34: {  	[sflag:s23] =	ssyncset.done $0x0  }
0x35: {  	[sflag:s23] =	ssyncadd.s32 $0xFFFFE790  }
0x36: {  	[bflag:$0x0] =	sbarrier.arrive $0xFFFF  }
0x37: {  	_ =	swait.ge [sflag:s24], $0x1388  }
0x38: {  	[sflag:s24] =	ssyncset.done $0x0  }
0x39: {  	[sflag:s24] =	ssyncadd.s32 $0xFFFFEC78  }
0x3a: {  	_ =	swait.ge [sflag:s25], $0x1388  }
0x3b: {  	[sflag:s25] =	ssyncset.done $0x0  }
0x3c: {  	[sflag:s25] =	ssyncadd.s32 $0xFFFFEC78  }
0x3d: {  	[spmem:s2] =	stream.indirect.scatter.add.f32 [tilespmem:s18], [sflag:$0x5], $0x1, s19, s26, $0xb8;
	[tilespmem:$0xC5E0] =	vst v63  }
0x3e: {  	_ = 	snop  }
0x3f: {  	[spmem:s3] =	stream.indirect.scatter.add.f32 [tilespmem:s28], [sflag:$0x6], $0x1, s19, s26, $0xb8;
	[tilespmem:$0xC5E0] =	vst v63  }
0x40: {  	_ =	swait.ge [sflag:s29], $0x1388  }
0x41: {  	[sflag:s29] =	ssyncset.done $0x0  }
0x42: {  	[sflag:s29] =	ssyncadd.s32 $0xFFFFEC78  }
0x43: {  	_ =	swait.ge [sflag:s30], $0x1388  }
0x44: {  	[sflag:s30] =	ssyncset.done $0x0  }
0x45: {  	[sflag:s30] =	ssyncadd.s32 $0xFFFFEC78  }
0x46: {  	[spmem:s2] =	stream.indirect.scatter.add.f32 [tilespmem:s20], [sflag:$0x7], $0x1, s21, s26, $0xb8;
	[tilespmem:$0xC5E0] =	vst v63  }
0x47: {  	_ = 	snop  }
0x48: {  	[spmem:s3] =	stream.indirect.scatter.add.f32 [tilespmem:s28], [sflag:$0x8], $0x1, s21, s26, $0xb8;
	[tilespmem:$0xC5E0] =	vst v63  }
0x49: {  	_ =	swait.ge [sflag:s31], $0x1388  }
0x4a: {  	[sflag:s31] =	ssyncset.done $0x0  }
0x4b: {  	[sflag:s31] =	ssyncadd.s32 $0xFFFFEC78  }
0x4c: {  	_ =	swait.ge [sflag:s0], $0x1388  }
0x4d: {  	s8 =	sadd.s32 $0x0, s16;
	[sflag:s0] =	ssyncset.done $0x0  }
0x4e: {  	s12 =	sadd.s32 $0x0, s17;
	s13 =	sadd.s32 $0x9C40, s8;
	[sflag:s0] =	ssyncadd.s32 $0xFFFFEC78  }
0x4f: {  	[tilespmem:s18], [sflag:$0x1] =	stream.linear.gather [hbm4b:s13+s4], $0x1388, $0x38;
	[tilespmem:$0xC5E0] =	vst v63  }
0x50: {  	s13 =	sadd.s32 $0x9C40, s12  }
0x51: {  	[tilespmem:s19], [sflag:$0x2] =	stream.linear.gather [hbm4b:s13+s4], $0x1388, $0x38;
	[tilespmem:$0xC5E0] =	vst v63  }
0x52: {  	_ =	swait.ge [sflag:s1], $0x1388  }
0x53: {  	[sflag:s1] =	ssyncset.done $0x0  }
0x54: {  	[sflag:s1] =	ssyncadd.s32 $0xFFFFEC78  }
0x55: {  	_ =	swait.ge [sflag:s5], $0x1388  }
0x56: {  	[sflag:s5] =	ssyncset.done $0x0  }
0x57: {  	s8 =	sadd.s32 $0xEA60, s8;
	[sflag:s5] =	ssyncadd.s32 $0xFFFFEC78  }
0x58: {  	[tilespmem:s20], [sflag:$0x3] =	stream.linear.gather [hbm4b:s8+s4], $0x1388, $0x38;
	[tilespmem:$0xC5E0] =	vst v63  }
0x59: {  	s11 =	sadd.s32 $0xEA60, s12;
	s8 =	simm.s32 $0x9C40  }
.LBB2_6:
0x5a: {  	[tilespmem:s21], [sflag:$0x4] =	stream.linear.gather [hbm4b:s11+s4], $0x1388, $0x38;
	[tilespmem:$0xC5E0] =	vst v63  }
0x5b: {  	s11 =	smov.u32 s8  }
0x5c: {  	p1 =	sne.s32 s8, $0x27100;
	s8 =	sadd.s32 $0x9C40, s8;
	_ =	swait.ge [sflag:s24], $0x1388  }
0x5d: {  	[sflag:s24] =	ssyncset.done $0x0  }
0x5e: {  	[sflag:s24] =	ssyncadd.s32 $0xFFFFEC78  }
0x5f: {  	_ =	swait.ge [sflag:s25], $0x1388  }
0x60: {  	[sflag:s25] =	ssyncset.done $0x0  }
0x61: {  	[sflag:s25] =	ssyncadd.s32 $0xFFFFEC78  }
0x62: {  	[spmem:s2] =	stream.indirect.scatter.add.f32 [tilespmem:s18], [sflag:$0x5], $0x1, s19, s26, $0xb8;
	[tilespmem:$0xC5E0] =	vst v63  }
0x63: {  	_ = 	snop  }
0x64: {  	[spmem:s3] =	stream.indirect.scatter.add.f32 [tilespmem:s28], [sflag:$0x6], $0x1, s19, s26, $0xb8;
	[tilespmem:$0xC5E0] =	vst v63  }
0x65: {  	_ =	swait.ge [sflag:s29], $0x1388  }
0x66: {  	[sflag:s29] =	ssyncset.done $0x0  }
0x67: {  	[sflag:s29] =	ssyncadd.s32 $0xFFFFEC78  }
0x68: {  	_ =	swait.ge [sflag:s30], $0x1388  }
0x69: {  	[sflag:s30] =	ssyncset.done $0x0  }
0x6a: {  	[sflag:s30] =	ssyncadd.s32 $0xFFFFEC78  }
0x6b: {  	[spmem:s2] =	stream.indirect.scatter.add.f32 [tilespmem:s20], [sflag:$0x7], $0x1, s21, s26, $0xb8;
	[tilespmem:$0xC5E0] =	vst v63  }
0x6c: {  	_ = 	snop  }
0x6d: {  	[spmem:s3] =	stream.indirect.scatter.add.f32 [tilespmem:s28], [sflag:$0x8], $0x1, s21, s26, $0xb8;
	[tilespmem:$0xC5E0] =	vst v63  }
0x6e: {  	_ =	swait.ge [sflag:s31], $0x1388  }
0x6f: {  	[sflag:s31] =	ssyncset.done $0x0  }
0x70: {  	[sflag:s31] =	ssyncadd.s32 $0xFFFFEC78  }
0x71: {  	_ =	swait.ge [sflag:s0], $0x1388  }
0x72: {  	s12 =	sadd.s32 s11, s16;
	[sflag:s0] =	ssyncset.done $0x0  }
0x73: {  	s11 =	sadd.s32 s11, s17;
	s13 =	sadd.s32 $0x9C40, s12;
	[sflag:s0] =	ssyncadd.s32 $0xFFFFEC78  }
0x74: {  	[tilespmem:s18], [sflag:$0x1] =	stream.linear.gather [hbm4b:s13+s4], $0x1388, $0x38;
	[tilespmem:$0xC5E0] =	vst v63  }
0x75: {  	s13 =	sadd.s32 $0x9C40, s11  }
0x76: {  	[tilespmem:s19], [sflag:$0x2] =	stream.linear.gather [hbm4b:s13+s4], $0x1388, $0x38;
	[tilespmem:$0xC5E0] =	vst v63  }
0x77: {  	_ =	swait.ge [sflag:s1], $0x1388  }
0x78: {  	[sflag:s1] =	ssyncset.done $0x0  }
0x79: {  	[sflag:s1] =	ssyncadd.s32 $0xFFFFEC78  }
.Ltmp2:
0x7a: {  	_ =	swait.ge [sflag:s5], $0x1388;
	(pc) =	sbr.rel @p1 .LBB2_6-.Ltmp2, $4  }
0x7b: {  	[sflag:s5] =	ssyncset.done $0x0  }
0x7c: {  	s12 =	sadd.s32 $0xEA60, s12;
	[sflag:s5] =	ssyncadd.s32 $0xFFFFEC78  }
0x7d: {  	[tilespmem:s20], [sflag:$0x3] =	stream.linear.gather [hbm4b:s12+s4], $0x1388, $0x38;
	[tilespmem:$0xC5E0] =	vst v63  }
0x7e: {  	s11 =	sadd.s32 $0xEA60, s11  }
0x7f: {  	[tilespmem:s21], [sflag:$0x4] =	stream.linear.gather [hbm4b:s11+s4], $0x1388, $0x38;
	[tilespmem:$0xC5E0] =	vst v63  }
0x80: {  	_ =	swait.ge [sflag:s24], $0x1388  }
0x81: {  	[sflag:s24] =	ssyncset.done $0x0  }
0x82: {  	[sflag:s24] =	ssyncadd.s32 $0xFFFFEC78  }
0x83: {  	_ =	swait.ge [sflag:s25], $0x1388  }
0x84: {  	[sflag:s25] =	ssyncset.done $0x0  }
0x85: {  	[sflag:s25] =	ssyncadd.s32 $0xFFFFEC78  }
0x86: {  	[spmem:s2] =	stream.indirect.scatter.add.f32 [tilespmem:s18], [sflag:$0x5], $0x1, s19, s26, $0xb8;
	[tilespmem:$0xC5E0] =	vst v63  }
0x87: {  	_ = 	snop  }
0x88: {  	[spmem:s3] =	stream.indirect.scatter.add.f32 [tilespmem:s28], [sflag:$0x6], $0x1, s19, s26, $0xb8;
	[tilespmem:$0xC5E0] =	vst v63  }
0x89: {  	_ =	swait.ge [sflag:s29], $0x1388  }
0x8a: {  	[sflag:s29] =	ssyncset.done $0x0  }
0x8b: {  	[sflag:s29] =	ssyncadd.s32 $0xFFFFEC78  }
0x8c: {  	_ =	swait.ge [sflag:s30], $0x1388  }
0x8d: {  	[sflag:s30] =	ssyncset.done $0x0  }
0x8e: {  	[sflag:s30] =	ssyncadd.s32 $0xFFFFEC78  }
0x8f: {  	[spmem:s2] =	stream.indirect.scatter.add.f32 [tilespmem:s20], [sflag:$0x7], $0x1, s21, s26, $0xb8;
	[tilespmem:$0xC5E0] =	vst v63  }
0x90: {  	_ = 	snop  }
0x91: {  	[spmem:s3] =	stream.indirect.scatter.add.f32 [tilespmem:s28], [sflag:$0x8], $0x1, s21, s26, $0xb8;
	[tilespmem:$0xC5E0] =	vst v63  }
0x92: {  	_ =	swait.ge [sflag:s31], $0x1388  }
0x93: {  	[sflag:s31] =	ssyncset.done $0x0  }
0x94: {  	[sflag:s31] =	ssyncadd.s32 $0xFFFFEC78  }
0x95: {  	_ =	swait.ge [sflag:s0], $0x1388  }
0x96: {  	[sflag:s0] =	ssyncset.done $0x0  }
0x97: {  	[sflag:s0] =	ssyncadd.s32 $0xFFFFEC78  }
0x98: {  	_ =	swait.ge [sflag:s1], $0x1388  }
0x99: {  	[sflag:s1] =	ssyncset.done $0x0  }
0x9a: {  	[sflag:s1] =	ssyncadd.s32 $0xFFFFEC78  }
0x9b: {  	_ =	swait.ge [sflag:s5], $0x1388  }
0x9c: {  	s8 =	simm.s32 @!p0 $0x0;
	[sflag:s5] =	ssyncset.done $0x0  }
0x9d: {  	s11 =	simm.s32 @!p0 $0x30E0;
	s12 =	rddreg [dreg:$0xa];
	[sflag:s5] =	ssyncadd.s32 $0xFFFFEC78  }
0x9e: {  	[tilespmem:s11], [sflag:$0x1] =	stream.linear.gather @!p0 [hbm4b:s12+s8], $0x1388, $0x38;
	[tilespmem:$0xC5E0] =	vst v63  }
0x9f: {  	s13 =	rddreg [dreg:$0xb];
	s12 =	simm.s32 @!p0 $0x58E0  }
0xa0: {  	[tilespmem:s12], [sflag:$0x2] =	stream.linear.gather @!p0 [hbm4b:s13+s8], $0x1388, $0x38;
	[tilespmem:$0xC5E0] =	vst v63  }
0xa1: {  	s8 =	simm.s32 @!p0 $0x1  }
0xa2: {  	_ =	swait.ge @!p0 [sflag:s8], $0x1388  }
0xa3: {  	[sflag:s8] =	ssyncset.done @!p0 $0x0  }
0xa4: {  	[sflag:s8] =	ssyncadd.s32 @!p0 $0xFFFFEC78;
	s8 =	simm.s32 @!p0 $0x2  }
0xa5: {  	_ =	swait.ge @!p0 [sflag:s8], $0x1388  }
0xa6: {  	[sflag:s8] =	ssyncset.done @!p0 $0x0  }
0xa7: {  	[sflag:s8] =	ssyncadd.s32 @!p0 $0xFFFFEC78;
	s8 =	simm.s32 @!p0 $0x1388  }
0xa8: {  	[spmem:s2] =	stream.indirect.scatter.add.f32 @!p0 [tilespmem:s11], [sflag:$0x5], $0x1, s12, s8, $0xb8;
	[tilespmem:$0xC5E0] =	vst v63  }
0xa9: {  	s11 =	simm.s32 @!p0 $0x80E0  }
0xaa: {  	[spmem:s3] =	stream.indirect.scatter.add.f32 @!p0 [tilespmem:s11], [sflag:$0x6], $0x1, s12, s8, $0xb8;
	[tilespmem:$0xC5E0] =	vst v63  }
0xab: {  	s8 =	simm.s32 @!p0 $0x5  }
0xac: {  	_ =	swait.ge @!p0 [sflag:s8], $0x1388  }
0xad: {  	[sflag:s8] =	ssyncset.done @!p0 $0x0  }
0xae: {  	[sflag:s8] =	ssyncadd.s32 @!p0 $0xFFFFEC78;
	s8 =	simm.s32 @!p0 $0x6  }
0xaf: {  	_ =	swait.ge @!p0 [sflag:s8], $0x1388  }
0xb0: {  	[sflag:s8] =	ssyncset.done @!p0 $0x0  }
0xb1: {  	[sflag:s8] =	ssyncadd.s32 @!p0 $0xFFFFEC78  }
0xb2: {  	[bflag:$0x0] =	sbarrier.arrive $0xFFFF  }
0xb3: {  	[tilespmem:s22], [sflag:$0x1] =	stream.linear.gather [spmem:s9], $0x1870, $0x38;
	[tilespmem:$0xC5E0] =	vst v63  }
0xb4: {  	_ = 	snop  }
0xb5: {  	[tilespmem:s6], [sflag:$0x3] =	stream.linear.gather [spmem:s10], $0x1870, $0x38;
	[tilespmem:$0xC5E0] =	vst v63  }
0xb6: {  	_ =	swait.ge [sflag:s24], $0x1870  }
0xb7: {  	[sflag:s24] =	ssyncset.done $0x0  }
0xb8: {  	[sflag:s24] =	ssyncadd.s32 $0xFFFFE790  }
0xb9: {  	_ =	swait.ge [sflag:s29], $0x1870  }
0xba: {  	[sflag:s29] =	ssyncset.done $0x0  }
0xbb: {  	s13 =	rddreg [dreg:$0xc];
	[sflag:s29] =	ssyncadd.s32 $0xFFFFE790  }
0xbc: {  	[hbm4b:s13+s4] =	stream.linear.scatter [tilespmem:s22], [sflag:$0x1], $0x1870, $0x38;
	[tilespmem:$0xC5E0] =	vst v63  }
0xbd: {  	s7 =	sadd.s32 $0x1, s7  }
0xbe: {  	[hbm4b:s14+s4] =	stream.linear.scatter [tilespmem:s6], [sflag:$0x3], $0x1870, $0x38;
	[tilespmem:$0xC5E0] =	vst v63  }
0xbf: {  	p1 =	sne.s32 s7, s15;
	_ =	swait.ge [sflag:s24], $0x1870  }
.Ltmp3:
0xc0: {  	[sflag:s24] =	ssyncset.done $0x0;
	(pc) =	sbr.rel @p1 .LBB2_1-.Ltmp3, $4  }
0xc1: {  	[sflag:s24] =	ssyncadd.s32 $0xFFFFE790  }
0xc2: {  	_ =	swait.ge [sflag:s29], $0x1870  }
0xc3: {  	[sflag:s29] =	ssyncset.done $0x0  }
0xc4: {  	[sflag:s29] =	ssyncadd.s32 $0xFFFFE790  }
0xc5: {  	_ =	sfence.sel $0x180000  }
0xc6: {  	[bflag:$0x0] =	sbarrier.arrive $0xFFFF  }
0xc7: {  	_ =	strace $0x90000047  }
0xc8: {  	s0 =	stileid.u32;
	[bflag:$0x2] =	sbarrier.arrive $0xFFFF  }
0xc9: {  	p0 =	sne.s32 s0, $0x0;
	s0 =	rddreg [dreg:$0x5]  }
0xca: {  	s0 =	sadd.s32 @!p0 $0x100000, s0  }
0xcb: {  	[sflag:s0] =	ssyncadd.tile.s32 @!p0 $0x1;
	_ =	shalt  }
.Lfunc_end2:
_tile_overlayer_lowered:
.L_overlay_start_2:
0xcc: {  	(tag) =	ssettag $0x2  }
0xcd: {  	s0 =	rddreg [dreg:$0x0];
	s2 =	stileid.u32  }
0xce: {  	s1 =	rddreg [dreg:$0x1];
	p0 =	sne.s32 s2, $0x0  }
0xcf: {  	s3 =	rddreg [dreg:$0x2];
	[bflag:$0x3] =	sbarrier.arrive $0xFFFF;
	s2 =	simm.s32 @!p0 $0x1C09  }
0xd0: {  	[timem:s3], [sflag:s2] =	dma.local @!p0 [hbm:s0], s1  }
0xd1: {  	s0 =	simm.s32 @!p0 $0x9  }
0xd2: {  	_ =	swait.ge @!p0 [sflag:s0], s1  }
0xd3: {  	s1 =	ssub.s32 @!p0 $0x0, s1;
	[sflag:s0] =	ssyncset.done @!p0 $0x0  }
0xd4: {  	[sflag:s0] =	ssyncadd.s32 @!p0 s1  }
0xd5: {  	[bflag:$0x3] =	sbarrier.arrive $0xFFFF  }
0xd6: {  	_ =	shalt  }

// kernel: _smoother.7.cloned.1.call-start
scs
__scs_entry_jumppad:
0x0: {  	(pc) =	sbr.rel $0x88, $3  }
0x1: {  	(tag) =	ssettag $0x0;
	lr =	simm.s32 $0x1  }
0x2: {  	[smem:$0x3F9E] =	sst lr;
	_ =	strace $0xD0000000  }
0x3: {  	_ = 	snop  }
0x4: {  	_ = 	snop  }
0x5: {  	_ = 	snop  }
0x6: {  	_ = 	snop  }
0x7: {  	_ = 	snop  }
__scs_overlays_trampoline_lowered:
0x8: {  	[smem:$0x3FAD] =	sst s0  }
0x9: {  	[smem:$0x3FAE] =	sst s1  }
0xa: {  	[smem:$0x3FAF] =	sst s2  }
0xb: {  	[smem:$0x3FB0] =	sst s3  }
0xc: {  	[smem:$0x3FB1] =	sst s4  }
0xd: {  	[smem:$0x3FB2] =	sst s5  }
0xe: {  	[smem:$0x3FB3] =	sst s6  }
0xf: {  	[smem:$0x3FB4] =	sst s7  }
0x10: {  	[smem:$0x3FB5] =	sst s8  }
0x11: {  	[smem:$0x3FB6] =	sst s9;
	s0 =	simm.s32 @!p0 $0x0  }
0x12: {  	s1 =	sld [smem:$0x3F9C];
	s0 =	simm.s32 @p0 $0x1  }
0x13: {  	[smem:$0x3FB7] =	sst s0;
	s0 =	simm.s32 @!p1 $0x0  }
0x14: {  	s2 =	sld [smem:$0x3F9B];
	s0 =	simm.s32 @p1 $0x1  }
0x15: {  	[smem:$0x3FB8] =	sst s0;
	s0 =	simm.s32 @!p2 $0x0  }
0x16: {  	s3 =	sld [smem:$0x3FDB];
	s0 =	simm.s32 @p2 $0x1  }
0x17: {  	s4 =	simm.s32 $0x1BF5;
	[smem:$0x3FBA] =	sst s0  }
0x18: {  	s0 =	sld [smem:$0x3F9D];
	_ =	swait.ge [sflag:s4], $0x0  }
0x19: {  	s7 =	sld [smem:$0x3F9E]  }
0x1a: {  	s8 =	sadd.s32 $0xFFFFE003, lr  }
0x1b: {  	s9 =	sadd.s32 $0xFFFFFEF7, lr;
	s5 =	simm.s32 $0xFFFFFFFF;
	p2 =	slt.u32 s8, $0xFFFFF086  }
0x1c: {  	p1 =	slt.u32 s9, $0xF7A;
	s5 =	simm.s32 @!p2 $0x0  }
0x1d: {  	s5 =	simm.s32 @p1 $0x1;
	p0 =	seq.s32 s7, s2  }
0x1e: {  	s7 =	smul.u32 @!p0 $0xF7A, s2;
	p2 =	seq.s32 @!p0 s5, $0x0  }
0x1f: {  	s9 =	smul.u32 $0xF7A, s1;
	s8 =	simm.s32 @!p0 $0x1BF5;
	p2 =	por !p2, p0  }
0x20: {  	[sflag:s8] =	ssyncset.s32 @!p0 $0xFFFFF086;
	s6 =	sadd.s32 @!p0 s3, s7;
	s7 =	simm.s32 @!p0 $0x108  }
0x21: {  	s3 =	sadd.s32 s3, s9;
	s6 =	sadd.s32 @!p0 $0x88, s6;
	s7 =	simm.s32 @p2 $0x1082  }
0x22: {  	[simem:s7], [sflag:s8] =	dma.local @!p0 [hbm:s6], $0xF7A  }
0x23: {  	s9 =	sor.u32 $0xD0000000, s2;
	s6 =	simm.s32 $0x108;
	_ =	swait.ge @!p0 [sflag:s8], $0x0  }
0x24: {  	s3 =	sadd.s32 $0x88, s3;
	s6 =	simm.s32 @!p1 $0x1082;
	[sflag:s4] =	ssyncset.s32 $0xFFFFF086  }
0x25: {  	[simem:s6], [sflag:s4] =	dma.local [hbm:s3], $0xF7A  }
0x26: {  	[smem:$0x3F9E] =	sst s1;
	(tag) =	ssettag s2;
	_ =	strace s9  }
0x27: {  	s1 =	sld [smem:$0x3FAE]  }
0x28: {  	s2 =	sld [smem:$0x3FAF]  }
0x29: {  	s4 =	sld [smem:$0x3FB1]  }
0x2a: {  	p0 =	seq.s32 s5, $0x0;
	s5 =	sld [smem:$0x3FB2]  }
0x2b: {  	s6 =	sld [smem:$0x3FB3]  }
0x2c: {  	s7 =	sld [smem:$0x3FB4]  }
0x2d: {  	s3 =	simm.s32 $0x108;
	s8 =	sld [smem:$0x3FB5]  }
0x2e: {  	s3 =	simm.s32 @!p0 $0x1082;
	s9 =	sld [smem:$0x3FB6]  }
0x2f: {  	lr =	sadd.s32 s0, s3;
	s0 =	sld [smem:$0x3FAD]  }
0x30: {  	s3 =	sld [smem:$0x3FB0]  }
0x31: {  	[smem:$0x3FB9] =	sst s10  }
0x32: {  	s10 =	sld [smem:$0x3FB7];
	_ =	sdelay $0x3  }
0x33: {  	p0 =	seq.s32 s10, $0x1;
	s10 =	sld [smem:$0x3FB9];
	_ =	sdelay $0x3  }
0x34: {  	[smem:$0x3FB9] =	sst s10  }
0x35: {  	s10 =	sld [smem:$0x3FB8];
	_ =	sdelay $0x3  }
0x36: {  	p1 =	seq.s32 s10, $0x1;
	s10 =	sld [smem:$0x3FB9];
	_ =	sdelay $0x3  }
0x37: {  	[smem:$0x3FB9] =	sst s10  }
0x38: {  	s10 =	sld [smem:$0x3FBA]  }
0x39: {  	_ = 	snop;
	(pc) =	sbr.ind lr, $3  }
0x3a: {  	_ = 	snop  }
0x3b: {  	_ = 	snop  }
0x3c: {  	p2 =	seq.s32 s10, $0x1;
	s10 =	sld [smem:$0x3FB9]  }
0x3d: {  	_ =	shalt  }
0x3e: {  	_ =	shalt  }
0x3f: {  	_ =	shalt  }
0x40: {  	_ =	shalt  }
0x41: {  	_ =	shalt  }
0x42: {  	_ =	shalt  }
0x43: {  	_ =	shalt  }
0x44: {  	_ =	shalt  }
0x45: {  	_ =	shalt  }
0x46: {  	_ =	shalt  }
0x47: {  	_ =	shalt  }
0x48: {  	_ =	shalt  }
0x49: {  	_ =	shalt  }
0x4a: {  	_ =	shalt  }
0x4b: {  	_ =	shalt  }
0x4c: {  	_ =	shalt  }
0x4d: {  	_ =	shalt  }
0x4e: {  	_ =	shalt  }
0x4f: {  	_ =	shalt  }
0x50: {  	_ =	shalt  }
0x51: {  	_ =	shalt  }
0x52: {  	_ =	shalt  }
0x53: {  	_ =	shalt  }
0x54: {  	_ =	shalt  }
0x55: {  	_ =	shalt  }
0x56: {  	_ =	shalt  }
0x57: {  	_ =	shalt  }
0x58: {  	_ =	shalt  }
0x59: {  	_ =	shalt  }
0x5a: {  	_ =	shalt  }
0x5b: {  	_ =	shalt  }
0x5c: {  	_ =	shalt  }
0x5d: {  	_ =	shalt  }
0x5e: {  	_ =	shalt  }
0x5f: {  	_ =	shalt  }
0x60: {  	_ =	shalt  }
0x61: {  	_ =	shalt  }
0x62: {  	_ =	shalt  }
0x63: {  	_ =	shalt  }
0x64: {  	_ =	shalt  }
0x65: {  	_ =	shalt  }
0x66: {  	_ =	shalt  }
0x67: {  	_ =	shalt  }
0x68: {  	_ =	shalt  }
0x69: {  	_ =	shalt  }
0x6a: {  	_ =	shalt  }
0x6b: {  	_ =	shalt  }
0x6c: {  	_ =	shalt  }
0x6d: {  	_ =	shalt  }
0x6e: {  	_ =	shalt  }
0x6f: {  	_ =	shalt  }
0x70: {  	_ =	shalt  }
0x71: {  	_ =	shalt  }
0x72: {  	_ =	shalt  }
0x73: {  	_ =	shalt  }
0x74: {  	_ =	shalt  }
0x75: {  	_ =	shalt  }
0x76: {  	_ =	shalt  }
0x77: {  	_ =	shalt  }
0x78: {  	_ =	shalt  }
0x79: {  	_ =	shalt  }
0x7a: {  	_ =	shalt  }
0x7b: {  	_ =	shalt  }
0x7c: {  	_ =	shalt  }
0x7d: {  	_ =	shalt  }
0x7e: {  	_ =	shalt  }
0x7f: {  	_ =	shalt  }
0x80: {  	_ =	shalt  }
0x81: {  	_ =	shalt  }
0x82: {  	_ =	shalt  }
0x83: {  	_ =	shalt  }
0x84: {  	_ =	shalt  }
0x85: {  	_ =	shalt  }
0x86: {  	_ =	shalt  }
0x87: {  	_ =	shalt  }
.Lfunc_end0:
.L_simem_size_0:
called_computation.1_lowered:
.L_overlay_start_0:
0x88: {  	s2 =	sld [smem:$0x3FD9]  }
0x89: {  	s3 =	sld [smem:$0x3FFE];
	_ =	sdelay $0x1  }
0x8a: {  	s1 =	srdreg.scid  }
0x8b: {  	s0 =	sand.u32 $0x1, s1  }
0x8c: {  	s17 =	sshll.u32 s0, $0xA;
	s2 =	sadd.s32 s3, s2  }
0x8d: {  	s2 =	sadd.s32 s2, s17  }
0x8e: {  	[smem:$0x3FC5] =	sst s2  }
0x8f: {  	_ = 	snop  }
0x90: {  	s2 =	sld [smem:$0x3FC8]  }
0x91: {  	s18 =	sld [smem:$0x3FC7]  }
0x92: {  	s4 =	sld [smem:$0x3FD0];
	(tm) =	ssettm $0x1  }
0x93: {  	s5 =	sld [smem:$0x3FFB];
	_ =	sdelay $0x3  }
0x94: {  	_ =	strace s5  }
0x95: {  	s5 =	sld [smem:$0x3FFC];
	_ =	sdelay $0x3  }
0x96: {  	_ =	strace s5  }
0x97: {  	s5 =	sld [smem:$0x3FFD];
	_ =	sdelay $0x3  }
0x98: {  	_ =	strace s5  }
0x99: {  	_ =	strace $0x8FFFFFFF  }
0x9a: {  	s19 =	sld [smem:$0x3FDB];
	_ =	sdelay $0x1  }
0x9b: {  	s6 =	simm.s32 $_scs_section_size  }
0x9c: {  	s7 =	simm.s32 $_size__tile_overlayer_lowered;
	s8 =	simm.s32 $_tile_overlayer_lowered  }
0x9d: {  	s22 =	simm.s32 $0x1BFF;
	s21 =	sshll.u32 s8, $0x1;
	s5 =	sadd.s32 s6, s19  }
0x9e: {  	s9 =	simm.s32 $0x0;
	s20 =	sshll.u32 s7, $0x1;
	s7 =	sadd.s32 s21, s5  }
0x9f: {  	[timem:s9], [sflag:s22] =	dma.local [hbm:s7], s20  }
0xa0: {  	_ =	swait.ge [sflag:s22], s20  }
0xa1: {  	s6 =	ssub.s32 $0x0, s20;
	[sflag:s22] =	ssyncset.done $0x0  }
0xa2: {  	[sflag:s22] =	ssyncadd.s32 s6;
	_ =	sdelay $0x1  }
0xa3: {  	s23 =	simm.s32 $0x1B8B  }
0xa4: {  	_ =	swait.ge [sflag:s23], $0x1  }
0xa5: {  	[sflag:s23] =	ssyncset.done $0x0  }
0xa6: {  	s25 =	simm.s32 $0x1B8E;
	s24 =	sld [smem:$0x3FFE];
	[sflag:s23] =	ssyncadd.s32 $0xFFFFFFFF  }
0xa7: {  	s26 =	simm.s32 $execute0_lowered;
	[smem:$0x3FD2] =	sst s25  }
0xa8: {  	s7 =	sshll.u32 s26, $0x1;
	_ =	strace $0x80000049;
	[dreg:$0x1] =	wrdreg $0xFFFFFFFF  }
0xa9: {  	s28 =	simm.s32 $_size_execute0_lowered;
	s5 =	sadd.s32 s5, s7;
	[dreg:$0x0] =	wrdreg $0x0  }
0xaa: {  	s7 =	sshll.u32 s28, $0x1;
	[dreg:$0x2] =	wrdreg s5  }
0xab: {  	[dreg:$0x3] =	wrdreg s7  }
0xac: {  	[dreg:$0x4] =	wrdreg $0xC0  }
0xad: {  	_ =	task [dreg:s9], $0x5FFFF  }
0xae: {  	[dreg:$0x1] =	wrdreg $0xFFFFFFFF  }
0xaf: {  	[dreg:$0x0] =	wrdreg $0x60  }
0xb0: {  	[dreg:$0x2] =	wrdreg s24  }
0xb1: {  	[dreg:$0x3] =	wrdreg s2  }
0xb2: {  	[dreg:$0x4] =	wrdreg s18  }
0xb3: {  	[dreg:$0x5] =	wrdreg s4  }
0xb4: {  	[dreg:$0x6] =	wrdreg $0x0  }
0xb5: {  	[dreg:$0x7] =	wrdreg $0x9  }
0xb6: {  	_ =	task.clear_ibuf [dreg:s9], $0x8FFFF;
	_ =	strace $0x90000049  }
0xb7: {  	s29 =	simm.s32 $0x9;
	_ =	strace $0x8000004B  }
0xb8: {  	_ =	swait.ge [sflag:s29], $0x1  }
0xb9: {  	[sflag:s29] =	ssyncadd.s32 $0xFFFFFFFF  }
0xba: {  	_ =	strace $0x9000004B  }
0xbb: {  	_ =	sfence  }
0xbc: {  	s30 =	sld [smem:$0x0];
	_ =	sdelay $0x2  }
0xbd: {  	s31 =	sshll.u32 s1, $0xD;
	s1 =	sshrl.u32 s1, $0x2  }
0xbe: {  	s3 =	sand.u32 $0x4000, s31;
	s1 =	sadd.s32 s1, s30  }
0xbf: {  	s0 =	sor.u32 s3, s0;
	s1 =	sshll.u32 s1, $0x11  }
0xc0: {  	s0 =	sor.u32 s1, s0  }
0xc1: {  	s0 =	sadd.s32 $0x8F2B, s0  }
0xc2: {  	[sflag:s0] =	ssyncadd.remote.s32 $0x1  }
0xc3: {  	_ =	sfence.sel $0xFFFF  }
0xc4: {  	[dreg:$0x0] =	wrdreg $0xFFFFFFFF;
	(pc) =	sbr.abs _section_cstart, $3  }
0xc5: {  	[dreg:$0x1] =	wrdreg $0xFFFFFFFF  }
0xc6: {  	_ =	task.clear_ibuf [dreg:s9], $0x2FFFF;
	_ =	strace $0x9FFFFFFF  }
0xc7: {  	(tm) =	ssettm $0x7FFFFFFF  }
tec
execute0_lowered:
.L_overlay_start_1:
0x0: {  	(tag) =	ssettag $0x1  }
0x1: {  	s0 =	rddreg [dreg:$0x0]  }
0x2: {  	s1 =	rddreg [dreg:$0x1]  }
0x3: {  	s5 =	rddreg [dreg:$0x2]  }
0x4: {  	s6 =	rddreg [dreg:$0x3]  }
0x5: {  	s2 =	rddreg [dreg:$0x4]  }
0x6: {  	s12 =	stileid.u32;
	s3 =	srdreg.scid  }
0x7: {  	s29 =	simm.s32 $0x5;
	s31 =	simm.s32 $0x6;
	s28 =	simm.s32 $0x4  }
0x8: {  	s7 =	sand.u32 $0x1, s3;
	s4 =	sshll.u32 s12, $0x1;
	s8 =	smul.u32 $0x1870, s12  }
0x9: {  	s3 =	simm.s32 $0x0;
	s12 =	smul.u32 $0x1E8C0, s12;
	s4 =	sor.u32 s7, s4  }
0xa: {  	[smem:$0x7FF] =	sst s3;
	s9 =	ssub.s32 $0x2, s7;
	s7 =	smul.u32 $0xF460, s7  }
0xb: {  	s30 =	simm.s32 $0x0;
	s4 =	smul.u32 $0xF460, s4;
	_ =	strace $0x8000004A  }
0xc: {  	s10 =	sshrl.u32 s8, $0x3;
	s11 =	sshrl.u32 s9, $0x1;
	s25 =	sadd.s32 s8, s2  }
0xd: {  	s0 =	sadd.s32 s10, s0;
	s9 =	ssub.s32 s9, s11;
	s24 =	sadd.s32 s5, s10  }
0xe: {  	[dreg:$0xc] =	wrdreg s25;
	s26 =	sadd.s32 s7, s12;
	s25 =	simm.s32 $0xF4F0  }
0xf: {  	s4 =	smin.u32 s4, $0x1D9020;
	s21 =	sadd.s32 $0x800, s0;
	[dreg:$0xb] =	wrdreg s24  }
0x10: {  	s22 =	sadd.s32 $0x69C0, s0;
	s23 =	sadd.s32 $0x38E0, s0;
	[dreg:$0x7] =	wrdreg s21  }
0x11: {  	s0 =	sadd.s32 $0x9AA0, s0;
	s12 =	smax.u32 s9, $0x1;
	[dreg:$0x8] =	wrdreg s22  }
0x12: {  	s24 =	simm.s32 $0x2;
	s13 =	sshrl.u32 s4, $0x3;
	[dreg:$0x9] =	wrdreg s23  }
0x13: {  	[dreg:$0xa] =	wrdreg s0;
	s0 =	smin.u32 s26, $0x1D9020;
	s21 =	simm.s32 $0xAB70  }
0x14: {  	s22 =	simm.s32 $0xC3F0;
	s23 =	simm.s32 $0x1870;
	s26 =	simm.s32 $0x3  }
0x15: {  	s4 =	sadd.s32 s1, s13;
	s15 =	sadd.s32 $0x30E, s13;
	s13 =	sadd.s32 s6, s13  }
.Ltmp0:
0x16: {  	s0 =	sshrl.u32 s0, $0x3;
	s20 =	sadd.s32 s1, s15;
	(pc) =	sbr.rel .LBB2_1-.Ltmp0, $4  }
0x17: {  	s14 =	sadd.s32 $0x61C, s4;
	s15 =	sadd.s32 s6, s15;
	s16 =	sadd.s32 $0x92A, s4  }
0x18: {  	s1 =	sadd.s32 s1, s0;
	s0 =	sadd.s32 s6, s0;
	[dreg:$0x6] =	wrdreg s20  }
0x19: {  	s17 =	sadd.s32 $0xF46, s1;
	s18 =	sadd.s32 $0x92A, s0;
	s19 =	sadd.s32 $0xC38, s1  }
0x1a: {  	s20 =	sadd.s32 $0x61C, s0;
	s0 =	simm.s32 $0x1;
	s1 =	simm.s32 $0xDC70  }
.LBB2_6:
0x1b: {  	s30 =	sadd.s32 $0x1, s30  }
0x1c: {  	_ =	swait.ge [sflag:s26], $0x1870;
	p0 =	sne.s32 s30, s12  }
.Ltmp1:
0x1d: {  	[sflag:s26] =	ssyncset.done $0x0;
	(pc) =	sbr.rel @!p0 .LBB2_7-.Ltmp1, $4  }
0x1e: {  	[sflag:s26] =	ssyncadd.s32 $0xFFFFE790  }
0x1f: {  	_ =	swait.ge [sflag:s28], $0x1870  }
0x20: {  	[sflag:s28] =	ssyncset.done $0x0  }
0x21: {  	[sflag:s28] =	ssyncadd.s32 $0xFFFFE790  }
.LBB2_1:
0x22: {  	[tilespmem:s21], [sflag:$0x1] =	stream.linear.gather [hbm4b:s4+s3], $0x1870, $0x38;
	[tilespmem:$0x10D70] =	vst v63  }
0x23: {  	s5 =	rddreg [dreg:$0x6]  }
0x24: {  	[tilespmem:s22], [sflag:$0x2] =	stream.linear.gather [hbm4b:s5+s3], $0x1870, $0x38;
	[tilespmem:$0x10D70] =	vst v63  }
0x25: {  	s10 =	rddreg [dreg:$0x7]  }
0x26: {  	[tilespmem:s23], [sflag:$0x5] =	stream.linear.gather [hbm4b:s10+s3], $0x1870, $0x38;
	[tilespmem:$0x10D70] =	vst v63  }
0x27: {  	s11 =	rddreg [dreg:$0x8];
	s6 =	simm.s32 $0x30F0  }
0x28: {  	[tilespmem:s6], [sflag:$0x5] =	stream.linear.gather [hbm4b:s11+s3], $0x1870, $0x38;
	[tilespmem:$0x10D70] =	vst v63  }
0x29: {  	s7 =	simm.s32 $0x4970;
	s6 =	rddreg [dreg:$0x9]  }
0x2a: {  	[tilespmem:s7], [sflag:$0x5] =	stream.linear.gather [hbm4b:s6+s3], $0x1870, $0x38;
	[tilespmem:$0x10D70] =	vst v63  }
0x2b: {  	s8 =	rddreg [dreg:$0xa];
	s9 =	simm.s32 $0x61F0  }
0x2c: {  	[tilespmem:s9], [sflag:$0x5] =	stream.linear.gather [hbm4b:s8+s3], $0x1870, $0x38;
	[tilespmem:$0x10D70] =	vst v63  }
0x2d: {  	s10 =	rddreg [dreg:$0xb];
	s11 =	simm.s32 $0x7A70  }
0x2e: {  	[tilespmem:s11], [sflag:$0x5] =	stream.linear.gather [hbm4b:s10+s3], $0x1870, $0x38;
	[tilespmem:$0x10D70] =	vst v63  }
0x2f: {  	_ =	swait.ge [sflag:s29], $0x1870  }
0x30: {  	[sflag:s29] =	ssyncset.done $0x0  }
0x31: {  	[sflag:s29] =	ssyncadd.s32 $0xFFFFE790  }
0x32: {  	_ =	swait.ge [sflag:s29], $0x1870  }
0x33: {  	[sflag:s29] =	ssyncset.done $0x0  }
0x34: {  	[sflag:s29] =	ssyncadd.s32 $0xFFFFE790  }
0x35: {  	_ =	swait.ge [sflag:s29], $0x1870  }
0x36: {  	[sflag:s29] =	ssyncset.done $0x0  }
0x37: {  	[sflag:s29] =	ssyncadd.s32 $0xFFFFE790  }
0x38: {  	_ =	swait.ge [sflag:s29], $0x1870  }
0x39: {  	[sflag:s29] =	ssyncset.done $0x0  }
0x3a: {  	[sflag:s29] =	ssyncadd.s32 $0xFFFFE790  }
0x3b: {  	_ =	swait.ge [sflag:s29], $0x1870  }
0x3c: {  	[sflag:s29] =	ssyncset.done $0x0  }
0x3d: {  	s9 =	simm.s32 $0x0;
	[sflag:s29] =	ssyncadd.s32 $0xFFFFE790  }
0x3e: {  	v0 =	vld [tilespmem:s9+$0x4970]  }
0x3f: {  	v1 =	vld [tilespmem:s9+$0x61F0];
	_ =	sdelay $0x2  }
0x40: {  	s6 =	simm.s32 $0x10  }
0x41: {  	v2 =	vld [tilespmem:s6+$0x4970]  }
0x42: {  	v14 =	vadd.f32 v1, v0;
	v0 =	vld [tilespmem:s6+$0x61F0];
	_ =	sdelay $0x1  }
0x43: {  	v1 =	vmul.f32 $-1.053605150e-01, v14  }
0x44: {  	v3 =	vmax.f32 v14, $1.000000000e+00  }
0x45: {  	s8 =	simm.s32 $0x20;
	v5 =	vld [tilespmem:s9+$0x30F0];
	(erf) = vrcp.f32 v3;
	v4 =	vmul.f32 $1.442695020e+00, v1  }
0x46: {  	v3 =	vld [tilespmem:s8+$0x4970];
	v1 =	vadd.f32 v0, v2  }
0x47: {  	v0 =	vld [tilespmem:s8+$0x61F0];
	(erf) = vpow2.f32 v4  }
0x48: {  	v4 =	vld [tilespmem:s9+$0x1870];
	v2 =	vmul.f32 $-1.053605150e-01, v1  }
0x49: {  	s5 =	simm.s32 $0x30;
	v6 =	vmax.f32 v1, $1.000000000e+00  }
0x4a: {  	v7 =	vld [tilespmem:s5+$0x4970];
	(erf) = vrcp.f32 v6;
	v2 =	vmul.f32 $1.442695020e+00, v2  }
0x4b: {  	v8 =	vld [tilespmem:s5+$0x61F0]  }
0x4c: {  	(erf) = vpow2.f32 v2;
	v2 =	vadd.f32 v0, v3  }
0x4d: {  	v6 =	vld [tilespmem:s9+$0x7A70];
	v3 =	vadd.f32 v5, v4  }
0x4e: {  	v0 =	vpop (erf);
	v4 =	vmul.f32 $-1.053605150e-01, v2  }
0x4f: {  	v9 =	vld [tilespmem:s6+$0x1870];
	v10 =	vmax.f32 v2, $1.000000000e+00;
	v3 =	vmul.f32 v0, v3  }
0x50: {  	v11 =	vld [tilespmem:s6+$0x30F0];
	v0 =	vadd.f32 v8, v7;
	(erf) = vrcp.f32 v10;
	v5 =	vpop (erf);
	v13 =	vmul.f32 $1.442695020e+00, v4  }
0x51: {  	s7 =	simm.s32 $0x40;
	v12 =	vsub.f32 $1.000000000e+00, v5  }
0x52: {  	v7 =	vld [tilespmem:s7+$0x61F0];
	v17 =	vmax.f32 v0, $1.000000000e+00;
	v8 =	vmul.f32 v5, v6;
	(erf) = vpow2.f32 v13  }
0x53: {  	v4 =	vld [tilespmem:s7+$0x4970];
	v10 =	vpop (erf);
	v15 =	vmul.f32 v12, v3;
	(erf) = vrcp.f32 v17  }
0x54: {  	v16 =	vmul.f32 $-1.053605150e-01, v0;
	v3 =	vld [tilespmem:s6+$0x7A70]  }
0x55: {  	v5 =	vld [tilespmem:s8+$0x1870];
	v12 =	vadd.f32 v11, v9;
	v13 =	vadd.f32 v15, v8  }
0x56: {  	s10 =	simm.s32 $0x140;
	vm0 =	vgt.f32 v14, $0.0e+00;
	v11 =	vmul.f32 $1.442695020e+00, v16;
	v9 =	vpop (erf);
	v8 =	vld [tilespmem:s8+$0x30F0]  }
.LBB2_2:
0x57: {  	s11 =	sshra.s32 s10, $0x2;
	v12 =	vmul.f32 v10, v12;
	v14 =	vsub.f32 $1.000000000e+00, v9;
	v16 =	vsel vm0, v13, v6;
	v15 =	vmovc v0;
	p0 =	sne.s32 s10, $0x6180  }
.Ltmp2:
0x58: {  	v0 =	vadd.f32 v7, v4;
	v4 =	vld [tilespmem:s11+$0x4970];
	(erf) = vpow2.f32 v11;
	[tilespmem:s9+$0x92F0] =	vst v16;
	s9 =	smov.u32 s6;
	s6 =	smov.u32 s8;
	(pc) =	sbr.rel @p0 .LBB2_2-.Ltmp2, $4  }
0x59: {  	s10 =	sadd.s32 $0x40, s10;
	s8 =	smov.u32 s5;
	v7 =	vld [tilespmem:s11+$0x61F0];
	v10 =	vpop (erf);
	v11 =	vmul.f32 v9, v3;
	v13 =	vmul.f32 v14, v12;
	v6 =	vmov v3  }
0x5a: {  	s5 =	smov.u32 s7;
	s7 =	smov.u32 s11;
	v14 =	vmul.f32 $-1.053605150e-01, v0;
	v3 =	vld [tilespmem:s6+$0x7A70]  }
0x5b: {  	v16 =	vmax.f32 v0, $1.000000000e+00;
	v12 =	vadd.f32 v8, v5;
	v5 =	vld [tilespmem:s8+$0x1870];
	v9 =	vpop (erf);
	v13 =	vadd.f32 v13, v11  }
0x5c: {  	vm0 =	vgt.f32 v1, $0.0e+00;
	v1 =	vmovc v2;
	v2 =	vmovc v15;
	v11 =	vmul.f32 $1.442695020e+00, v14;
	(erf) = vrcp.f32 v16;
	v8 =	vld [tilespmem:s8+$0x30F0]  }
0x5d: {  	v10 =	vmul.f32 v10, v12  }
0x5e: {  	v36 =	vsub.f32 $1.000000000e+00, v9;
	v6 =	vsel vm0, v13, v6;
	v4 =	vadd.f32 v7, v4  }
0x5f: {  	[tilespmem:s9+$0x92F0] =	vst v6;
	v37 =	vmul.f32 v9, v3  }
0x60: {  	v38 =	vmul.f32 v36, v10;
	v40 =	vld [tilespmem:s8+$0x7A70];
	v39 =	vmul.f32 $-1.053605150e-01, v4  }
0x61: {  	v41 =	vpop (erf);
	vm12 =	vgt.f32 v1, $0.0e+00;
	(erf) = vpow2.f32 v11;
	v5 =	vadd.f32 v8, v5  }
0x62: {  	v42 =	vmax.f32 v4, $1.000000000e+00;
	v43 =	vpop (erf);
	v6 =	vadd.f32 v38, v37;
	v44 =	vmul.f32 $1.442695020e+00, v39  }
0x63: {  	(erf) = vrcp.f32 v42;
	v47 =	vsub.f32 $1.000000000e+00, v43;
	v46 =	vmul.f32 v41, v5  }
0x64: {  	v45 =	vld [tilespmem:s5+$0x1870];
	v49 =	vsel vm12, v6, v3;
	(erf) = vpow2.f32 v44  }
0x65: {  	v48 =	vld [tilespmem:s5+$0x30F0];
	[tilespmem:s6+$0x92F0] =	vst v49;
	v50 =	vmul.f32 v43, v40;
	v1 =	vmul.f32 v47, v46  }
0x66: {  	v51 =	vld [tilespmem:s7+$0x1870]  }
0x67: {  	v52 =	vld [tilespmem:s7+$0x30F0];
	v1 =	vadd.f32 v1, v50  }
0x68: {  	vm13 =	vgt.f32 v2, $0.0e+00  }
0x69: {  	v1 =	vsel vm13, v1, v40  }
0x6a: {  	v53 =	vld [tilespmem:s5+$0x7A70];
	v54 =	vpop (erf);
	[tilespmem:s8+$0x92F0] =	vst v1  }
0x6b: {  	v55 =	vadd.f32 v48, v45;
	v56 =	vpop (erf);
	v57 =	vld [tilespmem:s7+$0x7A70]  }
0x6c: {  	v58 =	vpop (erf);
	v3 =	vadd.f32 v52, v51  }
0x6d: {  	v59 =	vsub.f32 $1.000000000e+00, v56;
	v1 =	vmul.f32 v54, v55;
	v60 =	vpop (erf)  }
0x6e: {  	v3 =	vmul.f32 v58, v3;
	v61 =	vsub.f32 $1.000000000e+00, v60  }
0x6f: {  	v7 =	vmul.f32 v56, v53;
	v1 =	vmul.f32 v59, v1  }
0x70: {  	v62 =	vmul.f32 v60, v57;
	v3 =	vmul.f32 v61, v3  }
0x71: {  	v1 =	vadd.f32 v1, v7  }
0x72: {  	vm14 =	vgt.f32 v0, $0.0e+00;
	v63 =	vadd.f32 v3, v62  }
0x73: {  	vm15 =	vgt.f32 v4, $0.0e+00;
	v1 =	vsel vm14, v1, v53  }
0x74: {  	[tilespmem:s5+$0x92F0] =	vst v1;
	v0 =	vsel vm15, v63, v57  }
0x75: {  	s10 =	rddreg [dreg:$0xc];
	s11 =	simm.s32 $0x92F0;
	[tilespmem:s7+$0x92F0] =	vst v0  }
0x76: {  	[spmem:s10] =	stream.linear.scatter [tilespmem:s11], [sflag:$0x6], $0x1870, $0x38;
	[tilespmem:$0x10D70] =	vst v63  }
0x77: {  	_ =	swait.ge [sflag:s31], $0x1870  }
0x78: {  	[sflag:s31] =	ssyncset.done $0x0  }
0x79: {  	[sflag:s31] =	ssyncadd.s32 $0xFFFFE790  }
0x7a: {  	[bflag:$0x0] =	sbarrier.arrive $0xFFFF  }
0x7b: {  	_ =	swait.ge [sflag:s0], $0x1870  }
0x7c: {  	[sflag:s0] =	ssyncset.done $0x0  }
0x7d: {  	[sflag:s0] =	ssyncadd.s32 $0xFFFFE790  }
0x7e: {  	[tilespmem:s1], [sflag:$0x6] =	stream.indirect.gather [spmem:s2], $0x1, s21, s23, $0xb8;
	[tilespmem:$0x10D70] =	vst v63  }
0x7f: {  	_ =	swait.ge [sflag:s31], $0x1870  }
0x80: {  	[sflag:s31] =	ssyncset.done $0x0  }
0x81: {  	s5 =	simm.s32 $0x0;
	[sflag:s31] =	ssyncadd.s32 $0xFFFFE790  }
0x82: {  	[hbm4b:s13+s5] =	stream.linear.scatter [tilespmem:s1], [sflag:$0x3], $0x1870, $0x38;
	[tilespmem:$0x10D70] =	vst v63  }
0x83: {  	_ = 	snop  }
0x84: {  	[tilespmem:s21], [sflag:$0x1] =	stream.linear.gather [hbm4b:s14+s5], $0x1870, $0x38;
	[tilespmem:$0x10D70] =	vst v63  }
0x85: {  	_ =	swait.ge [sflag:s24], $0x1870  }
0x86: {  	[sflag:s24] =	ssyncset.done $0x0  }
0x87: {  	[sflag:s24] =	ssyncadd.s32 $0xFFFFE790  }
0x88: {  	[tilespmem:s25], [sflag:$0x6] =	stream.indirect.gather [spmem:s2], $0x1, s22, s23, $0xb8;
	[tilespmem:$0x10D70] =	vst v63  }
0x89: {  	_ =	swait.ge [sflag:s31], $0x1870  }
0x8a: {  	[sflag:s31] =	ssyncset.done $0x0  }
0x8b: {  	[sflag:s31] =	ssyncadd.s32 $0xFFFFE790  }
0x8c: {  	[hbm4b:s15+s5] =	stream.linear.scatter [tilespmem:s25], [sflag:$0x4], $0x1870, $0x38;
	[tilespmem:$0x10D70] =	vst v63  }
0x8d: {  	_ = 	snop  }
0x8e: {  	[tilespmem:s22], [sflag:$0x2] =	stream.linear.gather [hbm4b:s16+s5], $0x1870, $0x38;
	[tilespmem:$0x10D70] =	vst v63  }
.LBB2_4:
0x8f: {  	_ =	swait.ge [sflag:s0], $0x1870  }
0x90: {  	[sflag:s0] =	ssyncset.done $0x0  }
0x91: {  	[sflag:s0] =	ssyncadd.s32 $0xFFFFE790  }
0x92: {  	_ =	swait.ge [sflag:s26], $0x1870  }
0x93: {  	[sflag:s26] =	ssyncset.done $0x0  }
0x94: {  	[sflag:s26] =	ssyncadd.s32 $0xFFFFE790  }
0x95: {  	[tilespmem:s1], [sflag:$0x6] =	stream.indirect.gather [spmem:s2], $0x1, s21, s23, $0xb8;
	[tilespmem:$0x10D70] =	vst v63  }
0x96: {  	_ =	swait.ge [sflag:s31], $0x1870  }
0x97: {  	[sflag:s31] =	ssyncset.done $0x0  }
0x98: {  	s6 =	sadd.s32 s5, s20;
	p0 =	seq.s32 s5, $0x1254;
	[sflag:s31] =	ssyncadd.s32 $0xFFFFE790  }
0x99: {  	[hbm4b:s6+s3] =	stream.linear.scatter [tilespmem:s1], [sflag:$0x3], $0x1870, $0x38;
	[tilespmem:$0x10D70] =	vst v63  }
0x9a: {  	s7 =	simm.s32 @!p0 $0x0;
	s8 =	simm.s32 @!p0 $0xAB70;
	s6 =	sadd.s32 @!p0 s5, s19  }
0x9b: {  	[tilespmem:s8], [sflag:$0x1] =	stream.linear.gather @!p0 [hbm4b:s6+s7], $0x1870, $0x38;
	[tilespmem:$0x10D70] =	vst v63  }
0x9c: {  	_ =	swait.ge [sflag:s24], $0x1870  }
0x9d: {  	[sflag:s24] =	ssyncset.done $0x0  }
0x9e: {  	[sflag:s24] =	ssyncadd.s32 $0xFFFFE790  }
0x9f: {  	_ =	swait.ge [sflag:s28], $0x1870  }
0xa0: {  	[sflag:s28] =	ssyncset.done $0x0  }
0xa1: {  	[sflag:s28] =	ssyncadd.s32 $0xFFFFE790  }
0xa2: {  	[tilespmem:s25], [sflag:$0x6] =	stream.indirect.gather [spmem:s2], $0x1, s22, s23, $0xb8;
	[tilespmem:$0x10D70] =	vst v63  }
.Ltmp3:
0xa3: {  	_ = 	snop;
	(pc) =	sbr.rel @p0 .LBB2_6-.Ltmp3, $4  }
0xa4: {  	_ =	swait.ge [sflag:s31], $0x1870  }
0xa5: {  	[sflag:s31] =	ssyncset.done $0x0  }
0xa6: {  	s11 =	sadd.s32 s5, s18;
	[sflag:s31] =	ssyncadd.s32 $0xFFFFE790  }
0xa7: {  	[hbm4b:s11+s3] =	stream.linear.scatter [tilespmem:s25], [sflag:$0x4], $0x1870, $0x38;
	[tilespmem:$0x10D70] =	vst v63  }
.Ltmp4:
0xa8: {  	(pc) =	sbr.rel .LBB2_4-.Ltmp4, $3  }
0xa9: {  	_ =	sdelay $0x1  }
0xaa: {  	s6 =	sadd.s32 s5, s17;
	s5 =	sadd.s32 $0x61C, s5  }
0xab: {  	[tilespmem:s22], [sflag:$0x2] =	stream.linear.gather [hbm4b:s6+s3], $0x1870, $0x38;
	[tilespmem:$0x10D70] =	vst v63  }
.LBB2_7:
0xac: {  	_ =	sfence.sel $0x180000  }
0xad: {  	[bflag:$0x0] =	sbarrier.arrive $0xFFFF  }
0xae: {  	_ =	strace $0x9000004A  }
0xaf: {  	s0 =	stileid.u32;
	[bflag:$0x2] =	sbarrier.arrive $0xFFFF  }
0xb0: {  	p0 =	sne.s32 s0, $0x0;
	s0 =	rddreg [dreg:$0x5]  }
0xb1: {  	s0 =	sadd.s32 @!p0 $0x100000, s0  }
0xb2: {  	[sflag:s0] =	ssyncadd.tile.s32 @!p0 $0x1;
	_ =	shalt  }
.Lfunc_end2:
_tile_overlayer_lowered:
.L_overlay_start_2:
0xb3: {  	(tag) =	ssettag $0x2  }
0xb4: {  	s0 =	rddreg [dreg:$0x0];
	s2 =	stileid.u32  }
0xb5: {  	s1 =	rddreg [dreg:$0x1];
	p0 =	sne.s32 s2, $0x0  }
0xb6: {  	s3 =	rddreg [dreg:$0x2];
	[bflag:$0x3] =	sbarrier.arrive $0xFFFF;
	s2 =	simm.s32 @!p0 $0x1C06  }
0xb7: {  	[timem:s3], [sflag:s2] =	dma.local @!p0 [hbm:s0], s1  }
0xb8: {  	s0 =	simm.s32 @!p0 $0x6  }
0xb9: {  	_ =	swait.ge @!p0 [sflag:s0], s1  }
0xba: {  	s1 =	ssub.s32 @!p0 $0x0, s1;
	[sflag:s0] =	ssyncset.done @!p0 $0x0  }
0xbb: {  	[sflag:s0] =	ssyncadd.s32 @!p0 s1  }
0xbc: {  	[bflag:$0x3] =	sbarrier.arrive $0xFFFF  }
0xbd: {  	_ =	shalt  }

</sc_bundles>
